<compile_context>
chip_gen: v7x
topology: tpu7x:2x2x1
jax: 0.10.2.dev20260603
libtpu: 0.0.44.dev20260713+nightly
codegen_flags: <defaults>
</compile_context>

<pallas_src>
import functools

import jax
import jax.numpy as jnp
from jax import lax
from jax.experimental import pallas as pl
from jax.experimental.pallas import tpu as pltpu
from jax.experimental.pallas import tpu_sc as plsc

B = 1024
L = 50
D = 64
V = 1000000
NC = 2
NS = 16
NW = NC * NS
BPW = B // NW
RPW = BPW * L
CHUNK = 128
NCHUNK = (RPW + CHUNK - 1) // CHUNK
RPAD = NCHUNK * CHUNK
NRING = 4
ACCROWS = 40
TRASH = 32


@functools.cache
def _get_mesh():
    return plsc.VectorSubcoreMesh(
        core_axis_name="c", subcore_axis_name="s", num_cores=NC, num_subcores=NS
    )


def _pool_body(idx_hbm, ev_hbm, x_hbm, out_hbm,
               idx_v, ev_v, r0, r1, r2, r3, acc_sh, isem, esem, gsems, ssems):
    sid = lax.axis_index("s")
    wid = sid * NC + lax.axis_index("c")
    rings = [r0, r1, r2, r3]

    icpy = pltpu.async_copy(idx_hbm.at[wid], idx_v.at[...], isem)
    ecpy = pltpu.async_copy(ev_hbm.at[wid], ev_v.at[...], esem)

    zeros16 = jnp.zeros((16,), jnp.float32)

    def zrow(r, carry):
        for j in range(4):
            r0[r, pl.ds(j * 16, 16)] = zeros16
        return carry

    lax.fori_loop(0, ACCROWS, zrow, 0)
    slab = sid * ACCROWS
    pltpu.sync_copy(r0.at[pl.ds(0, ACCROWS)], acc_sh.at[pl.ds(slab, ACCROWS)])
    icpy.wait()
    ecpy.wait()

    off = jnp.full((16,), slab, jnp.int32)

    def orow(r, carry):
        for j in range(8):
            ev_v[r, pl.ds(j * 16, 16)] = ev_v[r, pl.ds(j * 16, 16)] + off
        return carry

    lax.fori_loop(0, NCHUNK, orow, 0)

    gds = {}
    sds = {}
    for step in range(NCHUNK + 1):
        if step < NCHUNK:
            slot = step % NRING
            if step >= NRING:
                sds[step - NRING].wait()
            gds[step] = pltpu.async_copy(
                x_hbm.at[idx_v.at[step]], rings[slot], gsems.at[slot]
            )
        k = step - 1
        if 0 <= k < NCHUNK:
            gds[k].wait()
            sds[k] = pltpu.async_copy(
                rings[k % NRING], acc_sh.at[ev_v.at[k]], ssems.at[k % NRING],
                add=True,
            )
    for k in range(max(0, NCHUNK - NRING + 1), NCHUNK):
        sds[k].wait()

    pltpu.sync_copy(acc_sh.at[pl.ds(slab, BPW)], out_hbm.at[wid])


@functools.cache
def _get_pool():
    return pl.kernel(
        _pool_body,
        out_type=jax.ShapeDtypeStruct((NW, BPW, D), jnp.float32),
        mesh=_get_mesh(),
        scratch_types=[
            pltpu.VMEM((NCHUNK, CHUNK), jnp.int32),
            pltpu.VMEM((NCHUNK, CHUNK), jnp.int32),
            pltpu.VMEM((CHUNK, D), jnp.float32),
            pltpu.VMEM((CHUNK, D), jnp.float32),
            pltpu.VMEM((CHUNK, D), jnp.float32),
            pltpu.VMEM((CHUNK, D), jnp.float32),
            pltpu.VMEM_SHARED((NS * ACCROWS, D), jnp.float32),
            pltpu.SemaphoreType.DMA,
            pltpu.SemaphoreType.DMA,
            pltpu.SemaphoreType.DMA((NRING,)),
            pltpu.SemaphoreType.DMA((NRING,)),
        ],
        compiler_params=pltpu.CompilerParams(use_tc_tiling_on_sc=False),
    )


def _linear_body(his_ref, wt_ref, b_ref, out_ref):
    out_ref[...] = (
        jnp.dot(
            his_ref[...].reshape(B, D), wt_ref[...],
            preferred_element_type=jnp.float32,
        )
        + b_ref[...]
    )


def kernel(entities, history, entities_emb, W, b):
    del entities
    hist = history.astype(jnp.int32).reshape(NW, RPW)
    e_i = jnp.broadcast_to(
        (jnp.arange(RPW, dtype=jnp.int32) // L)[None, :], (NW, RPW)
    )
    idx = jnp.pad(hist, ((0, 0), (0, RPAD - RPW))).reshape(NW, NCHUNK, CHUNK)
    tgt = jnp.pad(
        e_i, ((0, 0), (0, RPAD - RPW)), constant_values=TRASH
    ).reshape(NW, NCHUNK, CHUNK)

    his = _get_pool()(idx, tgt, entities_emb)

    out = pl.pallas_call(
        _linear_body,
        out_shape=jax.ShapeDtypeStruct((B, D), jnp.float32),
    )(his, W.T, b.reshape(1, D))
    return out

# --- scband reference (transcript-rebuilt; emitter-appended) ---
"""Pipeline reference for scband-event-embedding-model-17085379903906 (READ-ONLY COPY).

The authoritative reference and input builder live on the scoring server;
editing this copy changes nothing except your own understanding.
"""

import jax, jax.numpy as jnp
import numpy as np

B = 1024
L = 50
V = 1000000
D = 64

def setup_inputs(seed: int = 0) -> dict:
    key = jax.random.key(seed)
    k1, k2, k3, k4, k5 = jax.random.split(key, 5)
    entities = jax.random.randint(k1, (B,), 0, V)
    history = jax.random.randint(k2, (B, L), 0, V)
    entities_emb = jax.random.normal(k3, (V, D), dtype=jnp.float32)
    # LinearQ parameters: torch nn.Linear(input_dim_m=64, output_dim_sm=64)
    W = jax.random.normal(k4, (D, D), dtype=jnp.float32) * (1.0 / np.sqrt(D))
    b = jax.random.normal(k5, (D,), dtype=jnp.float32) * 0.01
    return {"entities": entities, "history": history, "entities_emb": entities_emb, "W": W, "b": b}

def reference(entities, history, entities_emb, W, b):
    # Torch semantics: for each event, entity_embed = zeros(1, dim); then
    # entity_embed += entities_emb[his_entity] for each history entity;
    # torch.mean(entity_embed, dim=0) over a size-1 dim is identity, so the
    # per-event embedding is the SUM (not mean) of history entity embeddings.
    # With a dense [B, L] history (L > 0) the empty-history branch (which would
    # use entities_emb[ent]) is never taken, so `entities` is unused.
    gathered = jnp.take(entities_emb, history, axis=0)  # [B, L, D] gather (memory-bound)
    his = jnp.sum(gathered, axis=1)                     # [B, D] segment-style sum per event
    out = his @ W.T + b                                 # LinearQ: x @ W^T + b
    return out

if __name__ == "__main__":
    import jax
    _d = setup_inputs()
    print(jax.jit(kernel)(*tuple(_d.values())))

</pallas_src>

<mosaic_0001>
#map = affine_map<(d0, d1) -> (0, 0, 0)>
#map1 = affine_map<(d0, d1) -> (0, 0)>
module attributes {stable_mosaic.version = 14 : i64} {
  func.func @_pool_body(%arg0: i32, %arg1: i32, %arg2: memref<32x13x128xi32, #tpu.memory_space<hbm>>, %arg3: memref<32x13x128xi32, #tpu.memory_space<hbm>>, %arg4: memref<1000000x64xf32, #tpu.memory_space<hbm>>, %arg5: memref<32x32x64xf32, #tpu.memory_space<hbm>>, %arg6: memref<13x128xi32, #tpu.memory_space<vmem>>, %arg7: memref<13x128xi32, #tpu.memory_space<vmem>>, %arg8: memref<128x64xf32, #tpu.memory_space<vmem>>, %arg9: memref<128x64xf32, #tpu.memory_space<vmem>>, %arg10: memref<128x64xf32, #tpu.memory_space<vmem>>, %arg11: memref<128x64xf32, #tpu.memory_space<vmem>>, %arg12: memref<640x64xf32, #tpu.memory_space<vmem_shared>>, %arg13: memref<!tpu.dma_semaphore, #tpu.memory_space<semaphore_mem>>, %arg14: memref<!tpu.dma_semaphore, #tpu.memory_space<semaphore_mem>>, %arg15: memref<4x!tpu.dma_semaphore, #tpu.memory_space<semaphore_mem>>, %arg16: memref<4x!tpu.dma_semaphore, #tpu.memory_space<semaphore_mem>>) attributes {dimension_semantics = [#tpu.dimension_semantics<core_parallel>, #tpu.dimension_semantics<subcore_parallel>], iteration_bounds = array<i64: 2, 16>, scalar_prefetch = 0 : i64, scratch_operands = 11 : i64, tpu.core_type = #tpu.core_type<sc_vector_subcore>, window_params = [{transform_indices = #map}, {transform_indices = #map}, {transform_indices = #map1}, {transform_indices = #map}]} {
    %mul3A = arith.constant 2 : i32
    %mul3A_0 = arith.muli %arg1, %mul3A : i32
    %add3A = arith.addi %mul3A_0, %arg0 : i32
    %dma_start3A = arith.constant 0 : i32
    %dma_start3A_1 = arith.constant 0 : i32
    %dma_start3A_2 = tpu.memref_slice %arg6[%dma_start3A, %dma_start3A_1] : memref<13x128xi32, #tpu.memory_space<vmem>> -> memref<13x128xi32, #tpu.memory_space<vmem>>
    %dma_start3A_3 = arith.constant 0 : i32
    %dma_start3A_4 = arith.constant 0 : i32
    %dma_start3A_5 = tpu.memref_slice %arg2[%add3A, %dma_start3A_3, %dma_start3A_4] : memref<32x13x128xi32, #tpu.memory_space<hbm>> -> memref<1x13x128xi32, #tpu.memory_space<hbm>>
    %dma_start3A_6 = tpu.memref_squeeze %dma_start3A_5 : memref<1x13x128xi32, #tpu.memory_space<hbm>> -> memref<13x128xi32, #tpu.memory_space<hbm>>
    %dma_start3A_7 = arith.constant 0 : i32
    %dma_start3A_8 = arith.constant 0 : i32
    %dma_start3A_9 = tpu.memref_slice %arg6[%dma_start3A_7, %dma_start3A_8] : memref<13x128xi32, #tpu.memory_space<vmem>> -> memref<13x128xi32, #tpu.memory_space<vmem>>
    %dma_start3A_10 = arith.constant 0 : i32
    %dma_start3A_11 = arith.constant 0 : i32
    %dma_start3A_12 = tpu.memref_slice %arg2[%add3A, %dma_start3A_10, %dma_start3A_11] : memref<32x13x128xi32, #tpu.memory_space<hbm>> -> memref<1x13x128xi32, #tpu.memory_space<hbm>>
    %dma_start3A_13 = tpu.memref_squeeze %dma_start3A_12 : memref<1x13x128xi32, #tpu.memory_space<hbm>> -> memref<13x128xi32, #tpu.memory_space<hbm>>
    tpu.enqueue_dma source(%dma_start3A_13 : memref<13x128xi32, #tpu.memory_space<hbm>>) target(%dma_start3A_9 : memref<13x128xi32, #tpu.memory_space<vmem>>) target_semaphore(%arg13 : memref<!tpu.dma_semaphore, #tpu.memory_space<semaphore_mem>>)
    %dma_start3A_14 = arith.constant 0 : i32
    %dma_start3A_15 = arith.constant 0 : i32
    %dma_start3A_16 = tpu.memref_slice %arg7[%dma_start3A_14, %dma_start3A_15] : memref<13x128xi32, #tpu.memory_space<vmem>> -> memref<13x128xi32, #tpu.memory_space<vmem>>
    %dma_start3A_17 = arith.constant 0 : i32
    %dma_start3A_18 = arith.constant 0 : i32
    %dma_start3A_19 = tpu.memref_slice %arg3[%add3A, %dma_start3A_17, %dma_start3A_18] : memref<32x13x128xi32, #tpu.memory_space<hbm>> -> memref<1x13x128xi32, #tpu.memory_space<hbm>>
    %dma_start3A_20 = tpu.memref_squeeze %dma_start3A_19 : memref<1x13x128xi32, #tpu.memory_space<hbm>> -> memref<13x128xi32, #tpu.memory_space<hbm>>
    %dma_start3A_21 = arith.constant 0 : i32
    %dma_start3A_22 = arith.constant 0 : i32
    %dma_start3A_23 = tpu.memref_slice %arg7[%dma_start3A_21, %dma_start3A_22] : memref<13x128xi32, #tpu.memory_space<vmem>> -> memref<13x128xi32, #tpu.memory_space<vmem>>
    %dma_start3A_24 = arith.constant 0 : i32
    %dma_start3A_25 = arith.constant 0 : i32
    %dma_start3A_26 = tpu.memref_slice %arg3[%add3A, %dma_start3A_24, %dma_start3A_25] : memref<32x13x128xi32, #tpu.memory_space<hbm>> -> memref<1x13x128xi32, #tpu.memory_space<hbm>>
    %dma_start3A_27 = tpu.memref_squeeze %dma_start3A_26 : memref<1x13x128xi32, #tpu.memory_space<hbm>> -> memref<13x128xi32, #tpu.memory_space<hbm>>
    tpu.enqueue_dma source(%dma_start3A_27 : memref<13x128xi32, #tpu.memory_space<hbm>>) target(%dma_start3A_23 : memref<13x128xi32, #tpu.memory_space<vmem>>) target_semaphore(%arg14 : memref<!tpu.dma_semaphore, #tpu.memory_space<semaphore_mem>>)
    %broadcast_in_dim3A = arith.constant 0.000000e+00 : f32
    %broadcast_in_dim3A_28 = vector.broadcast %broadcast_in_dim3A : f32 to vector<16xf32>
    %scan3A = arith.constant 0 : i32
    %scan3A_29 = arith.constant 0 : i32
    %scan3A_30 = arith.constant 40 : i32
    %scan3A_31 = arith.addi %scan3A_29, %scan3A_30 : i32
    %scan3A_32 = arith.constant 1 : i32
    scf.for %scan3A_580 = %scan3A_29 to %scan3A_31 step %scan3A_32  : i32 {
      %swap3A = arith.index_cast %scan3A_580 : i32 to index
      %swap3A_581 = arith.constant 0 : index
      %swap3A_582 = tpu.vector_load %arg8[%swap3A, %swap3A_581] {strides = array<i32>} : memref<128x64xf32, #tpu.memory_space<vmem>>, vector<1x16xf32>,
      %swap3A_583 = vector.shape_cast %swap3A_582 : vector<1x16xf32> to vector<16xf32>
      %swap3A_584 = vector.shape_cast %broadcast_in_dim3A_28 : vector<16xf32> to vector<1x16xf32>
      tpu.vector_store %arg8[%swap3A, %swap3A_581], %swap3A_584 {strides = array<i32>} : memref<128x64xf32, #tpu.memory_space<vmem>>, vector<1x16xf32>,
      %swap3A_585 = arith.index_cast %scan3A_580 : i32 to index
      %swap3A_586 = arith.constant 16 : index
      %swap3A_587 = tpu.vector_load %arg8[%swap3A_585, %swap3A_586] {strides = array<i32>} : memref<128x64xf32, #tpu.memory_space<vmem>>, vector<1x16xf32>,
      %swap3A_588 = vector.shape_cast %swap3A_587 : vector<1x16xf32> to vector<16xf32>
      %swap3A_589 = vector.shape_cast %broadcast_in_dim3A_28 : vector<16xf32> to vector<1x16xf32>
      tpu.vector_store %arg8[%swap3A_585, %swap3A_586], %swap3A_589 {strides = array<i32>} : memref<128x64xf32, #tpu.memory_space<vmem>>, vector<1x16xf32>,
      %swap3A_590 = arith.index_cast %scan3A_580 : i32 to index
      %swap3A_591 = arith.constant 32 : index
      %swap3A_592 = tpu.vector_load %arg8[%swap3A_590, %swap3A_591] {strides = array<i32>} : memref<128x64xf32, #tpu.memory_space<vmem>>, vector<1x16xf32>,
      %swap3A_593 = vector.shape_cast %swap3A_592 : vector<1x16xf32> to vector<16xf32>
      %swap3A_594 = vector.shape_cast %broadcast_in_dim3A_28 : vector<16xf32> to vector<1x16xf32>
      tpu.vector_store %arg8[%swap3A_590, %swap3A_591], %swap3A_594 {strides = array<i32>} : memref<128x64xf32, #tpu.memory_space<vmem>>, vector<1x16xf32>,
      %swap3A_595 = arith.index_cast %scan3A_580 : i32 to index
      %swap3A_596 = arith.constant 48 : index
      %swap3A_597 = tpu.vector_load %arg8[%swap3A_595, %swap3A_596] {strides = array<i32>} : memref<128x64xf32, #tpu.memory_space<vmem>>, vector<1x16xf32>,
      %swap3A_598 = vector.shape_cast %swap3A_597 : vector<1x16xf32> to vector<16xf32>
      %swap3A_599 = vector.shape_cast %broadcast_in_dim3A_28 : vector<16xf32> to vector<1x16xf32>
      tpu.vector_store %arg8[%swap3A_595, %swap3A_596], %swap3A_599 {strides = array<i32>} : memref<128x64xf32, #tpu.memory_space<vmem>>, vector<1x16xf32>,
    }
    %scan3A_33 = arith.constant 40 : i32
    %mul3A_34 = arith.constant 40 : i32
    %mul3A_35 = arith.muli %arg1, %mul3A_34 : i32
    "tpu.region"() ({
      %run_scoped3A = tpu.sem_alloc : memref<!tpu.dma_semaphore, #tpu.memory_space<semaphore_mem>>
      %dma_start3A_580 = arith.constant 0 : i32
      %dma_start3A_581 = arith.constant 0 : i32
      %dma_start3A_582 = tpu.memref_slice %arg8[%dma_start3A_580, %dma_start3A_581] : memref<128x64xf32, #tpu.memory_space<vmem>> -> memref<40x64xf32, #tpu.memory_space<vmem>>
      %dma_start3A_583 = arith.constant 0 : i32
      %dma_start3A_584 = tpu.memref_slice %arg12[%mul3A_35, %dma_start3A_583] : memref<640x64xf32, #tpu.memory_space<vmem_shared>> -> memref<40x64xf32, #tpu.memory_space<vmem_shared>>
      %dma_start3A_585 = arith.constant 0 : i32
      %dma_start3A_586 = tpu.memref_slice %arg12[%mul3A_35, %dma_start3A_585] : memref<640x64xf32, #tpu.memory_space<vmem_shared>> -> memref<40x64xf32, #tpu.memory_space<vmem_shared>>
      %dma_start3A_587 = arith.constant 0 : i32
      %dma_start3A_588 = arith.constant 0 : i32
      %dma_start3A_589 = tpu.memref_slice %arg8[%dma_start3A_587, %dma_start3A_588] : memref<128x64xf32, #tpu.memory_space<vmem>> -> memref<40x64xf32, #tpu.memory_space<vmem>>
      tpu.enqueue_dma source(%dma_start3A_589 : memref<40x64xf32, #tpu.memory_space<vmem>>) target(%dma_start3A_586 : memref<40x64xf32, #tpu.memory_space<vmem_shared>>) target_semaphore(%run_scoped3A : memref<!tpu.dma_semaphore, #tpu.memory_space<semaphore_mem>>)
      %dma_wait3A_590 = arith.constant 0 : i32
      %dma_wait3A_591 = arith.constant 0 : i32
      %dma_wait3A_592 = tpu.memref_slice %arg8[%dma_wait3A_590, %dma_wait3A_591] : memref<128x64xf32, #tpu.memory_space<vmem>> -> memref<40x64xf32, #tpu.memory_space<vmem>>
      %dma_wait3A_593 = arith.constant 0 : i32
      %dma_wait3A_594 = tpu.memref_slice %arg12[%mul3A_35, %dma_wait3A_593] : memref<640x64xf32, #tpu.memory_space<vmem_shared>> -> memref<40x64xf32, #tpu.memory_space<vmem_shared>>
      %dma_wait3A_595 = arith.constant 0 : i32
      %dma_wait3A_596 = tpu.memref_slice %arg12[%mul3A_35, %dma_wait3A_595] : memref<640x64xf32, #tpu.memory_space<vmem_shared>> -> memref<40x64xf32, #tpu.memory_space<vmem_shared>>
      %dma_wait3A_597 = arith.constant 0 : i32
      %dma_wait3A_598 = arith.constant 0 : i32
      %dma_wait3A_599 = tpu.memref_slice %arg8[%dma_wait3A_597, %dma_wait3A_598] : memref<128x64xf32, #tpu.memory_space<vmem>> -> memref<40x64xf32, #tpu.memory_space<vmem>>
      tpu.wait_dma2 semaphore(%run_scoped3A : memref<!tpu.dma_semaphore, #tpu.memory_space<semaphore_mem>>) src(%dma_wait3A_599 : memref<40x64xf32, #tpu.memory_space<vmem>>) dst(%dma_wait3A_596 : memref<40x64xf32, #tpu.memory_space<vmem_shared>>)
      tpu.yield
    }) : () -> ()
    %dma_wait3A = arith.constant 0 : i32
    %dma_wait3A_36 = arith.constant 0 : i32
    %dma_wait3A_37 = tpu.memref_slice %arg6[%dma_wait3A, %dma_wait3A_36] : memref<13x128xi32, #tpu.memory_space<vmem>> -> memref<13x128xi32, #tpu.memory_space<vmem>>
    %dma_wait3A_38 = arith.constant 0 : i32
    %dma_wait3A_39 = arith.constant 0 : i32
    %dma_wait3A_40 = tpu.memref_slice %arg2[%add3A, %dma_wait3A_38, %dma_wait3A_39] : memref<32x13x128xi32, #tpu.memory_space<hbm>> -> memref<1x13x128xi32, #tpu.memory_space<hbm>>
    %dma_wait3A_41 = tpu.memref_squeeze %dma_wait3A_40 : memref<1x13x128xi32, #tpu.memory_space<hbm>> -> memref<13x128xi32, #tpu.memory_space<hbm>>
    %dma_wait3A_42 = arith.constant 0 : i32
    %dma_wait3A_43 = arith.constant 0 : i32
    %dma_wait3A_44 = tpu.memref_slice %arg6[%dma_wait3A_42, %dma_wait3A_43] : memref<13x128xi32, #tpu.memory_space<vmem>> -> memref<13x128xi32, #tpu.memory_space<vmem>>
    %dma_wait3A_45 = arith.constant 0 : i32
    %dma_wait3A_46 = arith.constant 0 : i32
    %dma_wait3A_47 = tpu.memref_slice %arg2[%add3A, %dma_wait3A_45, %dma_wait3A_46] : memref<32x13x128xi32, #tpu.memory_space<hbm>> -> memref<1x13x128xi32, #tpu.memory_space<hbm>>
    %dma_wait3A_48 = tpu.memref_squeeze %dma_wait3A_47 : memref<1x13x128xi32, #tpu.memory_space<hbm>> -> memref<13x128xi32, #tpu.memory_space<hbm>>
    tpu.wait_dma2 semaphore(%arg13 : memref<!tpu.dma_semaphore, #tpu.memory_space<semaphore_mem>>) src(%dma_wait3A_48 : memref<13x128xi32, #tpu.memory_space<hbm>>) dst(%dma_wait3A_44 : memref<13x128xi32, #tpu.memory_space<vmem>>)
    %dma_wait3A_49 = arith.constant 0 : i32
    %dma_wait3A_50 = arith.constant 0 : i32
    %dma_wait3A_51 = tpu.memref_slice %arg7[%dma_wait3A_49, %dma_wait3A_50] : memref<13x128xi32, #tpu.memory_space<vmem>> -> memref<13x128xi32, #tpu.memory_space<vmem>>
    %dma_wait3A_52 = arith.constant 0 : i32
    %dma_wait3A_53 = arith.constant 0 : i32
    %dma_wait3A_54 = tpu.memref_slice %arg3[%add3A, %dma_wait3A_52, %dma_wait3A_53] : memref<32x13x128xi32, #tpu.memory_space<hbm>> -> memref<1x13x128xi32, #tpu.memory_space<hbm>>
    %dma_wait3A_55 = tpu.memref_squeeze %dma_wait3A_54 : memref<1x13x128xi32, #tpu.memory_space<hbm>> -> memref<13x128xi32, #tpu.memory_space<hbm>>
    %dma_wait3A_56 = arith.constant 0 : i32
    %dma_wait3A_57 = arith.constant 0 : i32
    %dma_wait3A_58 = tpu.memref_slice %arg7[%dma_wait3A_56, %dma_wait3A_57] : memref<13x128xi32, #tpu.memory_space<vmem>> -> memref<13x128xi32, #tpu.memory_space<vmem>>
    %dma_wait3A_59 = arith.constant 0 : i32
    %dma_wait3A_60 = arith.constant 0 : i32
    %dma_wait3A_61 = tpu.memref_slice %arg3[%add3A, %dma_wait3A_59, %dma_wait3A_60] : memref<32x13x128xi32, #tpu.memory_space<hbm>> -> memref<1x13x128xi32, #tpu.memory_space<hbm>>
    %dma_wait3A_62 = tpu.memref_squeeze %dma_wait3A_61 : memref<1x13x128xi32, #tpu.memory_space<hbm>> -> memref<13x128xi32, #tpu.memory_space<hbm>>
    tpu.wait_dma2 semaphore(%arg14 : memref<!tpu.dma_semaphore, #tpu.memory_space<semaphore_mem>>) src(%dma_wait3A_62 : memref<13x128xi32, #tpu.memory_space<hbm>>) dst(%dma_wait3A_58 : memref<13x128xi32, #tpu.memory_space<vmem>>)
    %broadcast_in_dim3A_63 = vector.broadcast %mul3A_35 : i32 to vector<16xi32>
    %scan3A_64 = arith.constant 0 : i32
    %scan3A_65 = arith.constant 0 : i32
    %scan3A_66 = arith.constant 13 : i32
    %scan3A_67 = arith.addi %scan3A_65, %scan3A_66 : i32
    %scan3A_68 = arith.constant 1 : i32
    scf.for %scan3A_580 = %scan3A_65 to %scan3A_67 step %scan3A_68  : i32 {
      %get3A = arith.index_cast %scan3A_580 : i32 to index
      %get3A_581 = arith.constant 0 : index
      %get3A_582 = tpu.vector_load %arg7[%get3A, %get3A_581] {strides = array<i32>} : memref<13x128xi32, #tpu.memory_space<vmem>>, vector<1x16xi32>,
      %get3A_583 = vector.shape_cast %get3A_582 : vector<1x16xi32> to vector<16xi32>
      %add3A_584 = arith.addi %get3A_583, %broadcast_in_dim3A_63 : vector<16xi32>
      %swap3A = arith.index_cast %scan3A_580 : i32 to index
      %swap3A_585 = arith.constant 0 : index
      %swap3A_586 = tpu.vector_load %arg7[%swap3A, %swap3A_585] {strides = array<i32>} : memref<13x128xi32, #tpu.memory_space<vmem>>, vector<1x16xi32>,
      %swap3A_587 = vector.shape_cast %swap3A_586 : vector<1x16xi32> to vector<16xi32>
      %swap3A_588 = vector.shape_cast %add3A_584 : vector<16xi32> to vector<1x16xi32>
      tpu.vector_store %arg7[%swap3A, %swap3A_585], %swap3A_588 {strides = array<i32>} : memref<13x128xi32, #tpu.memory_space<vmem>>, vector<1x16xi32>,
      %get3A_589 = arith.index_cast %scan3A_580 : i32 to index
      %get3A_590 = arith.constant 16 : index
      %get3A_591 = tpu.vector_load %arg7[%get3A_589, %get3A_590] {strides = array<i32>} : memref<13x128xi32, #tpu.memory_space<vmem>>, vector<1x16xi32>,
      %get3A_592 = vector.shape_cast %get3A_591 : vector<1x16xi32> to vector<16xi32>
      %add3A_593 = arith.addi %get3A_592, %broadcast_in_dim3A_63 : vector<16xi32>
      %swap3A_594 = arith.index_cast %scan3A_580 : i32 to index
      %swap3A_595 = arith.constant 16 : index
      %swap3A_596 = tpu.vector_load %arg7[%swap3A_594, %swap3A_595] {strides = array<i32>} : memref<13x128xi32, #tpu.memory_space<vmem>>, vector<1x16xi32>,
      %swap3A_597 = vector.shape_cast %swap3A_596 : vector<1x16xi32> to vector<16xi32>
      %swap3A_598 = vector.shape_cast %add3A_593 : vector<16xi32> to vector<1x16xi32>
      tpu.vector_store %arg7[%swap3A_594, %swap3A_595], %swap3A_598 {strides = array<i32>} : memref<13x128xi32, #tpu.memory_space<vmem>>, vector<1x16xi32>,
      %get3A_599 = arith.index_cast %scan3A_580 : i32 to index
      %get3A_600 = arith.constant 32 : index
      %get3A_601 = tpu.vector_load %arg7[%get3A_599, %get3A_600] {strides = array<i32>} : memref<13x128xi32, #tpu.memory_space<vmem>>, vector<1x16xi32>,
      %get3A_602 = vector.shape_cast %get3A_601 : vector<1x16xi32> to vector<16xi32>
      %add3A_603 = arith.addi %get3A_602, %broadcast_in_dim3A_63 : vector<16xi32>
      %swap3A_604 = arith.index_cast %scan3A_580 : i32 to index
      %swap3A_605 = arith.constant 32 : index
      %swap3A_606 = tpu.vector_load %arg7[%swap3A_604, %swap3A_605] {strides = array<i32>} : memref<13x128xi32, #tpu.memory_space<vmem>>, vector<1x16xi32>,
      %swap3A_607 = vector.shape_cast %swap3A_606 : vector<1x16xi32> to vector<16xi32>
      %swap3A_608 = vector.shape_cast %add3A_603 : vector<16xi32> to vector<1x16xi32>
      tpu.vector_store %arg7[%swap3A_604, %swap3A_605], %swap3A_608 {strides = array<i32>} : memref<13x128xi32, #tpu.memory_space<vmem>>, vector<1x16xi32>,
      %get3A_609 = arith.index_cast %scan3A_580 : i32 to index
      %get3A_610 = arith.constant 48 : index
      %get3A_611 = tpu.vector_load %arg7[%get3A_609, %get3A_610] {strides = array<i32>} : memref<13x128xi32, #tpu.memory_space<vmem>>, vector<1x16xi32>,
      %get3A_612 = vector.shape_cast %get3A_611 : vector<1x16xi32> to vector<16xi32>
      %add3A_613 = arith.addi %get3A_612, %broadcast_in_dim3A_63 : vector<16xi32>
      %swap3A_614 = arith.index_cast %scan3A_580 : i32 to index
      %swap3A_615 = arith.constant 48 : index
      %swap3A_616 = tpu.vector_load %arg7[%swap3A_614, %swap3A_615] {strides = array<i32>} : memref<13x128xi32, #tpu.memory_space<vmem>>, vector<1x16xi32>,
      %swap3A_617 = vector.shape_cast %swap3A_616 : vector<1x16xi32> to vector<16xi32>
      %swap3A_618 = vector.shape_cast %add3A_613 : vector<16xi32> to vector<1x16xi32>
      tpu.vector_store %arg7[%swap3A_614, %swap3A_615], %swap3A_618 {strides = array<i32>} : memref<13x128xi32, #tpu.memory_space<vmem>>, vector<1x16xi32>,
      %get3A_619 = arith.index_cast %scan3A_580 : i32 to index
      %get3A_620 = arith.constant 64 : index
      %get3A_621 = tpu.vector_load %arg7[%get3A_619, %get3A_620] {strides = array<i32>} : memref<13x128xi32, #tpu.memory_space<vmem>>, vector<1x16xi32>,
      %get3A_622 = vector.shape_cast %get3A_621 : vector<1x16xi32> to vector<16xi32>
      %add3A_623 = arith.addi %get3A_622, %broadcast_in_dim3A_63 : vector<16xi32>
      %swap3A_624 = arith.index_cast %scan3A_580 : i32 to index
      %swap3A_625 = arith.constant 64 : index
      %swap3A_626 = tpu.vector_load %arg7[%swap3A_624, %swap3A_625] {strides = array<i32>} : memref<13x128xi32, #tpu.memory_space<vmem>>, vector<1x16xi32>,
      %swap3A_627 = vector.shape_cast %swap3A_626 : vector<1x16xi32> to vector<16xi32>
      %swap3A_628 = vector.shape_cast %add3A_623 : vector<16xi32> to vector<1x16xi32>
      tpu.vector_store %arg7[%swap3A_624, %swap3A_625], %swap3A_628 {strides = array<i32>} : memref<13x128xi32, #tpu.memory_space<vmem>>, vector<1x16xi32>,
      %get3A_629 = arith.index_cast %scan3A_580 : i32 to index
      %get3A_630 = arith.constant 80 : index
      %get3A_631 = tpu.vector_load %arg7[%get3A_629, %get3A_630] {strides = array<i32>} : memref<13x128xi32, #tpu.memory_space<vmem>>, vector<1x16xi32>,
      %get3A_632 = vector.shape_cast %get3A_631 : vector<1x16xi32> to vector<16xi32>
      %add3A_633 = arith.addi %get3A_632, %broadcast_in_dim3A_63 : vector<16xi32>
      %swap3A_634 = arith.index_cast %scan3A_580 : i32 to index
      %swap3A_635 = arith.constant 80 : index
      %swap3A_636 = tpu.vector_load %arg7[%swap3A_634, %swap3A_635] {strides = array<i32>} : memref<13x128xi32, #tpu.memory_space<vmem>>, vector<1x16xi32>,
      %swap3A_637 = vector.shape_cast %swap3A_636 : vector<1x16xi32> to vector<16xi32>
      %swap3A_638 = vector.shape_cast %add3A_633 : vector<16xi32> to vector<1x16xi32>
      tpu.vector_store %arg7[%swap3A_634, %swap3A_635], %swap3A_638 {strides = array<i32>} : memref<13x128xi32, #tpu.memory_space<vmem>>, vector<1x16xi32>,
      %get3A_639 = arith.index_cast %scan3A_580 : i32 to index
      %get3A_640 = arith.constant 96 : index
      %get3A_641 = tpu.vector_load %arg7[%get3A_639, %get3A_640] {strides = array<i32>} : memref<13x128xi32, #tpu.memory_space<vmem>>, vector<1x16xi32>,
      %get3A_642 = vector.shape_cast %get3A_641 : vector<1x16xi32> to vector<16xi32>
      %add3A_643 = arith.addi %get3A_642, %broadcast_in_dim3A_63 : vector<16xi32>
      %swap3A_644 = arith.index_cast %scan3A_580 : i32 to index
      %swap3A_645 = arith.constant 96 : index
      %swap3A_646 = tpu.vector_load %arg7[%swap3A_644, %swap3A_645] {strides = array<i32>} : memref<13x128xi32, #tpu.memory_space<vmem>>, vector<1x16xi32>,
      %swap3A_647 = vector.shape_cast %swap3A_646 : vector<1x16xi32> to vector<16xi32>
      %swap3A_648 = vector.shape_cast %add3A_643 : vector<16xi32> to vector<1x16xi32>
      tpu.vector_store %arg7[%swap3A_644, %swap3A_645], %swap3A_648 {strides = array<i32>} : memref<13x128xi32, #tpu.memory_space<vmem>>, vector<1x16xi32>,
      %get3A_649 = arith.index_cast %scan3A_580 : i32 to index
      %get3A_650 = arith.constant 112 : index
      %get3A_651 = tpu.vector_load %arg7[%get3A_649, %get3A_650] {strides = array<i32>} : memref<13x128xi32, #tpu.memory_space<vmem>>, vector<1x16xi32>,
      %get3A_652 = vector.shape_cast %get3A_651 : vector<1x16xi32> to vector<16xi32>
      %add3A_653 = arith.addi %get3A_652, %broadcast_in_dim3A_63 : vector<16xi32>
      %swap3A_654 = arith.index_cast %scan3A_580 : i32 to index
      %swap3A_655 = arith.constant 112 : index
      %swap3A_656 = tpu.vector_load %arg7[%swap3A_654, %swap3A_655] {strides = array<i32>} : memref<13x128xi32, #tpu.memory_space<vmem>>, vector<1x16xi32>,
      %swap3A_657 = vector.shape_cast %swap3A_656 : vector<1x16xi32> to vector<16xi32>
      %swap3A_658 = vector.shape_cast %add3A_653 : vector<16xi32> to vector<1x16xi32>
      tpu.vector_store %arg7[%swap3A_654, %swap3A_655], %swap3A_658 {strides = array<i32>} : memref<13x128xi32, #tpu.memory_space<vmem>>, vector<1x16xi32>,
    }
    %scan3A_69 = arith.constant 13 : i32
    %dma_start3A_70 = arith.constant 0 : i32
    %dma_start3A_71 = arith.constant 0 : i32
    %dma_start3A_72 = arith.constant 0 : i32
    %dma_start3A_73 = tpu.memref_slice %arg6[%dma_start3A_70, %dma_start3A_72] : memref<13x128xi32, #tpu.memory_space<vmem>> -> memref<1x128xi32, #tpu.memory_space<vmem>>
    %dma_start3A_74 = tpu.memref_squeeze %dma_start3A_73 : memref<1x128xi32, #tpu.memory_space<vmem>> -> memref<128xi32, #tpu.memory_space<vmem>>
    %dma_start3A_75 = arith.constant 0 : i32
    %dma_start3A_76 = arith.constant 0 : i32
    %dma_start3A_77 = tpu.memref_slice %arg4[%dma_start3A_75, %dma_start3A_76] : memref<1000000x64xf32, #tpu.memory_space<hbm>> -> memref<1000000x64xf32, #tpu.memory_space<hbm>>
    %dma_start3A_78 = tpu.memref_slice %arg15[%dma_start3A_71] : memref<4x!tpu.dma_semaphore, #tpu.memory_space<semaphore_mem>> -> memref<1x!tpu.dma_semaphore, #tpu.memory_space<semaphore_mem>>
    %dma_start3A_79 = tpu.memref_squeeze %dma_start3A_78 : memref<1x!tpu.dma_semaphore, #tpu.memory_space<semaphore_mem>> -> memref<!tpu.dma_semaphore, #tpu.memory_space<semaphore_mem>>
    tpu.enqueue_indirect_dma source(%dma_start3A_77 : memref<1000000x64xf32, #tpu.memory_space<hbm>>) target(%arg8 : memref<128x64xf32, #tpu.memory_space<vmem>>) offsets(%dma_start3A_74 : memref<128xi32, #tpu.memory_space<vmem>>) semaphore(%dma_start3A_79 : memref<!tpu.dma_semaphore, #tpu.memory_space<semaphore_mem>>)
    %dma_start3A_80 = arith.constant 1 : i32
    %dma_start3A_81 = arith.constant 1 : i32
    %dma_start3A_82 = arith.constant 0 : i32
    %dma_start3A_83 = tpu.memref_slice %arg6[%dma_start3A_80, %dma_start3A_82] : memref<13x128xi32, #tpu.memory_space<vmem>> -> memref<1x128xi32, #tpu.memory_space<vmem>>
    %dma_start3A_84 = tpu.memref_squeeze %dma_start3A_83 : memref<1x128xi32, #tpu.memory_space<vmem>> -> memref<128xi32, #tpu.memory_space<vmem>>
    %dma_start3A_85 = arith.constant 0 : i32
    %dma_start3A_86 = arith.constant 0 : i32
    %dma_start3A_87 = tpu.memref_slice %arg4[%dma_start3A_85, %dma_start3A_86] : memref<1000000x64xf32, #tpu.memory_space<hbm>> -> memref<1000000x64xf32, #tpu.memory_space<hbm>>
    %dma_start3A_88 = tpu.memref_slice %arg15[%dma_start3A_81] : memref<4x!tpu.dma_semaphore, #tpu.memory_space<semaphore_mem>> -> memref<1x!tpu.dma_semaphore, #tpu.memory_space<semaphore_mem>>
    %dma_start3A_89 = tpu.memref_squeeze %dma_start3A_88 : memref<1x!tpu.dma_semaphore, #tpu.memory_space<semaphore_mem>> -> memref<!tpu.dma_semaphore, #tpu.memory_space<semaphore_mem>>
    tpu.enqueue_indirect_dma source(%dma_start3A_87 : memref<1000000x64xf32, #tpu.memory_space<hbm>>) target(%arg9 : memref<128x64xf32, #tpu.memory_space<vmem>>) offsets(%dma_start3A_84 : memref<128xi32, #tpu.memory_space<vmem>>) semaphore(%dma_start3A_89 : memref<!tpu.dma_semaphore, #tpu.memory_space<semaphore_mem>>)
    %dma_wait3A_90 = arith.constant 0 : i32
    %dma_wait3A_91 = arith.constant 0 : i32
    %dma_wait3A_92 = arith.constant 0 : i32
    %dma_wait3A_93 = tpu.memref_slice %arg6[%dma_wait3A_90, %dma_wait3A_92] : memref<13x128xi32, #tpu.memory_space<vmem>> -> memref<1x128xi32, #tpu.memory_space<vmem>>
    %dma_wait3A_94 = tpu.memref_squeeze %dma_wait3A_93 : memref<1x128xi32, #tpu.memory_space<vmem>> -> memref<128xi32, #tpu.memory_space<vmem>>
    %dma_wait3A_95 = arith.constant 0 : i32
    %dma_wait3A_96 = arith.constant 0 : i32
    %dma_wait3A_97 = tpu.memref_slice %arg4[%dma_wait3A_95, %dma_wait3A_96] : memref<1000000x64xf32, #tpu.memory_space<hbm>> -> memref<1000000x64xf32, #tpu.memory_space<hbm>>
    %dma_wait3A_98 = tpu.memref_slice %arg15[%dma_wait3A_91] : memref<4x!tpu.dma_semaphore, #tpu.memory_space<semaphore_mem>> -> memref<1x!tpu.dma_semaphore, #tpu.memory_space<semaphore_mem>>
    %dma_wait3A_99 = tpu.memref_squeeze %dma_wait3A_98 : memref<1x!tpu.dma_semaphore, #tpu.memory_space<semaphore_mem>> -> memref<!tpu.dma_semaphore, #tpu.memory_space<semaphore_mem>>
    tpu.wait_indirect_dma semaphore(%dma_wait3A_99 : memref<!tpu.dma_semaphore, #tpu.memory_space<semaphore_mem>>) src(%dma_wait3A_97 : memref<1000000x64xf32, #tpu.memory_space<hbm>>) dst(%arg8 : memref<128x64xf32, #tpu.memory_space<vmem>>)
    %dma_start3A_100 = arith.constant 0 : i32
    %dma_start3A_101 = arith.constant 0 : i32
    %dma_start3A_102 = arith.constant 0 : i32
    %dma_start3A_103 = tpu.memref_slice %arg7[%dma_start3A_100, %dma_start3A_102] : memref<13x128xi32, #tpu.memory_space<vmem>> -> memref<1x128xi32, #tpu.memory_space<vmem>>
    %dma_start3A_104 = tpu.memref_squeeze %dma_start3A_103 : memref<1x128xi32, #tpu.memory_space<vmem>> -> memref<128xi32, #tpu.memory_space<vmem>>
    %dma_start3A_105 = arith.constant 0 : i32
    %dma_start3A_106 = arith.constant 0 : i32
    %dma_start3A_107 = tpu.memref_slice %arg12[%dma_start3A_105, %dma_start3A_106] : memref<640x64xf32, #tpu.memory_space<vmem_shared>> -> memref<640x64xf32, #tpu.memory_space<vmem_shared>>
    %dma_start3A_108 = tpu.memref_slice %arg16[%dma_start3A_101] : memref<4x!tpu.dma_semaphore, #tpu.memory_space<semaphore_mem>> -> memref<1x!tpu.dma_semaphore, #tpu.memory_space<semaphore_mem>>
    %dma_start3A_109 = tpu.memref_squeeze %dma_start3A_108 : memref<1x!tpu.dma_semaphore, #tpu.memory_space<semaphore_mem>> -> memref<!tpu.dma_semaphore, #tpu.memory_space<semaphore_mem>>
    tpu.enqueue_indirect_dma source(%arg8 : memref<128x64xf32, #tpu.memory_space<vmem>>) target(%dma_start3A_107 : memref<640x64xf32, #tpu.memory_space<vmem_shared>>) offsets(%dma_start3A_104 : memref<128xi32, #tpu.memory_space<vmem>>) semaphore(%dma_start3A_109 : memref<!tpu.dma_semaphore, #tpu.memory_space<semaphore_mem>>) {add = true}
    %dma_start3A_110 = arith.constant 2 : i32
    %dma_start3A_111 = arith.constant 2 : i32
    %dma_start3A_112 = arith.constant 0 : i32
    %dma_start3A_113 = tpu.memref_slice %arg6[%dma_start3A_110, %dma_start3A_112] : memref<13x128xi32, #tpu.memory_space<vmem>> -> memref<1x128xi32, #tpu.memory_space<vmem>>
    %dma_start3A_114 = tpu.memref_squeeze %dma_start3A_113 : memref<1x128xi32, #tpu.memory_space<vmem>> -> memref<128xi32, #tpu.memory_space<vmem>>
    %dma_start3A_115 = arith.constant 0 : i32
    %dma_start3A_116 = arith.constant 0 : i32
    %dma_start3A_117 = tpu.memref_slice %arg4[%dma_start3A_115, %dma_start3A_116] : memref<1000000x64xf32, #tpu.memory_space<hbm>> -> memref<1000000x64xf32, #tpu.memory_space<hbm>>
    %dma_start3A_118 = tpu.memref_slice %arg15[%dma_start3A_111] : memref<4x!tpu.dma_semaphore, #tpu.memory_space<semaphore_mem>> -> memref<1x!tpu.dma_semaphore, #tpu.memory_space<semaphore_mem>>
    %dma_start3A_119 = tpu.memref_squeeze %dma_start3A_118 : memref<1x!tpu.dma_semaphore, #tpu.memory_space<semaphore_mem>> -> memref<!tpu.dma_semaphore, #tpu.memory_space<semaphore_mem>>
    tpu.enqueue_indirect_dma source(%dma_start3A_117 : memref<1000000x64xf32, #tpu.memory_space<hbm>>) target(%arg10 : memref<128x64xf32, #tpu.memory_space<vmem>>) offsets(%dma_start3A_114 : memref<128xi32, #tpu.memory_space<vmem>>) semaphore(%dma_start3A_119 : memref<!tpu.dma_semaphore, #tpu.memory_space<semaphore_mem>>)
    %dma_wait3A_120 = arith.constant 1 : i32
    %dma_wait3A_121 = arith.constant 1 : i32
    %dma_wait3A_122 = arith.constant 0 : i32
    %dma_wait3A_123 = tpu.memref_slice %arg6[%dma_wait3A_120, %dma_wait3A_122] : memref<13x128xi32, #tpu.memory_space<vmem>> -> memref<1x128xi32, #tpu.memory_space<vmem>>
    %dma_wait3A_124 = tpu.memref_squeeze %dma_wait3A_123 : memref<1x128xi32, #tpu.memory_space<vmem>> -> memref<128xi32, #tpu.memory_space<vmem>>
    %dma_wait3A_125 = arith.constant 0 : i32
    %dma_wait3A_126 = arith.constant 0 : i32
    %dma_wait3A_127 = tpu.memref_slice %arg4[%dma_wait3A_125, %dma_wait3A_126] : memref<1000000x64xf32, #tpu.memory_space<hbm>> -> memref<1000000x64xf32, #tpu.memory_space<hbm>>
    %dma_wait3A_128 = tpu.memref_slice %arg15[%dma_wait3A_121] : memref<4x!tpu.dma_semaphore, #tpu.memory_space<semaphore_mem>> -> memref<1x!tpu.dma_semaphore, #tpu.memory_space<semaphore_mem>>
    %dma_wait3A_129 = tpu.memref_squeeze %dma_wait3A_128 : memref<1x!tpu.dma_semaphore, #tpu.memory_space<semaphore_mem>> -> memref<!tpu.dma_semaphore, #tpu.memory_space<semaphore_mem>>
    tpu.wait_indirect_dma semaphore(%dma_wait3A_129 : memref<!tpu.dma_semaphore, #tpu.memory_space<semaphore_mem>>) src(%dma_wait3A_127 : memref<1000000x64xf32, #tpu.memory_space<hbm>>) dst(%arg9 : memref<128x64xf32, #tpu.memory_space<vmem>>)
    %dma_start3A_130 = arith.constant 1 : i32
    %dma_start3A_131 = arith.constant 1 : i32
    %dma_start3A_132 = arith.constant 0 : i32
    %dma_start3A_133 = tpu.memref_slice %arg7[%dma_start3A_130, %dma_start3A_132] : memref<13x128xi32, #tpu.memory_space<vmem>> -> memref<1x128xi32, #tpu.memory_space<vmem>>
    %dma_start3A_134 = tpu.memref_squeeze %dma_start3A_133 : memref<1x128xi32, #tpu.memory_space<vmem>> -> memref<128xi32, #tpu.memory_space<vmem>>
    %dma_start3A_135 = arith.constant 0 : i32
    %dma_start3A_136 = arith.constant 0 : i32
    %dma_start3A_137 = tpu.memref_slice %arg12[%dma_start3A_135, %dma_start3A_136] : memref<640x64xf32, #tpu.memory_space<vmem_shared>> -> memref<640x64xf32, #tpu.memory_space<vmem_shared>>
    %dma_start3A_138 = tpu.memref_slice %arg16[%dma_start3A_131] : memref<4x!tpu.dma_semaphore, #tpu.memory_space<semaphore_mem>> -> memref<1x!tpu.dma_semaphore, #tpu.memory_space<semaphore_mem>>
    %dma_start3A_139 = tpu.memref_squeeze %dma_start3A_138 : memref<1x!tpu.dma_semaphore, #tpu.memory_space<semaphore_mem>> -> memref<!tpu.dma_semaphore, #tpu.memory_space<semaphore_mem>>
    tpu.enqueue_indirect_dma source(%arg9 : memref<128x64xf32, #tpu.memory_space<vmem>>) target(%dma_start3A_137 : memref<640x64xf32, #tpu.memory_space<vmem_shared>>) offsets(%dma_start3A_134 : memref<128xi32, #tpu.memory_space<vmem>>) semaphore(%dma_start3A_139 : memref<!tpu.dma_semaphore, #tpu.memory_space<semaphore_mem>>) {add = true}
    %dma_start3A_140 = arith.constant 3 : i32
    %dma_start3A_141 = arith.constant 3 : i32
    %dma_start3A_142 = arith.constant 0 : i32
    %dma_start3A_143 = tpu.memref_slice %arg6[%dma_start3A_140, %dma_start3A_142] : memref<13x128xi32, #tpu.memory_space<vmem>> -> memref<1x128xi32, #tpu.memory_space<vmem>>
    %dma_start3A_144 = tpu.memref_squeeze %dma_start3A_143 : memref<1x128xi32, #tpu.memory_space<vmem>> -> memref<128xi32, #tpu.memory_space<vmem>>
    %dma_start3A_145 = arith.constant 0 : i32
    %dma_start3A_146 = arith.constant 0 : i32
    %dma_start3A_147 = tpu.memref_slice %arg4[%dma_start3A_145, %dma_start3A_146] : memref<1000000x64xf32, #tpu.memory_space<hbm>> -> memref<1000000x64xf32, #tpu.memory_space<hbm>>
    %dma_start3A_148 = tpu.memref_slice %arg15[%dma_start3A_141] : memref<4x!tpu.dma_semaphore, #tpu.memory_space<semaphore_mem>> -> memref<1x!tpu.dma_semaphore, #tpu.memory_space<semaphore_mem>>
    %dma_start3A_149 = tpu.memref_squeeze %dma_start3A_148 : memref<1x!tpu.dma_semaphore, #tpu.memory_space<semaphore_mem>> -> memref<!tpu.dma_semaphore, #tpu.memory_space<semaphore_mem>>
    tpu.enqueue_indirect_dma source(%dma_start3A_147 : memref<1000000x64xf32, #tpu.memory_space<hbm>>) target(%arg11 : memref<128x64xf32, #tpu.memory_space<vmem>>) offsets(%dma_start3A_144 : memref<128xi32, #tpu.memory_space<vmem>>) semaphore(%dma_start3A_149 : memref<!tpu.dma_semaphore, #tpu.memory_space<semaphore_mem>>)
    %dma_wait3A_150 = arith.constant 2 : i32
    %dma_wait3A_151 = arith.constant 2 : i32
    %dma_wait3A_152 = arith.constant 0 : i32
    %dma_wait3A_153 = tpu.memref_slice %arg6[%dma_wait3A_150, %dma_wait3A_152] : memref<13x128xi32, #tpu.memory_space<vmem>> -> memref<1x128xi32, #tpu.memory_space<vmem>>
    %dma_wait3A_154 = tpu.memref_squeeze %dma_wait3A_153 : memref<1x128xi32, #tpu.memory_space<vmem>> -> memref<128xi32, #tpu.memory_space<vmem>>
    %dma_wait3A_155 = arith.constant 0 : i32
    %dma_wait3A_156 = arith.constant 0 : i32
    %dma_wait3A_157 = tpu.memref_slice %arg4[%dma_wait3A_155, %dma_wait3A_156] : memref<1000000x64xf32, #tpu.memory_space<hbm>> -> memref<1000000x64xf32, #tpu.memory_space<hbm>>
    %dma_wait3A_158 = tpu.memref_slice %arg15[%dma_wait3A_151] : memref<4x!tpu.dma_semaphore, #tpu.memory_space<semaphore_mem>> -> memref<1x!tpu.dma_semaphore, #tpu.memory_space<semaphore_mem>>
    %dma_wait3A_159 = tpu.memref_squeeze %dma_wait3A_158 : memref<1x!tpu.dma_semaphore, #tpu.memory_space<semaphore_mem>> -> memref<!tpu.dma_semaphore, #tpu.memory_space<semaphore_mem>>
    tpu.wait_indirect_dma semaphore(%dma_wait3A_159 : memref<!tpu.dma_semaphore, #tpu.memory_space<semaphore_mem>>) src(%dma_wait3A_157 : memref<1000000x64xf32, #tpu.memory_space<hbm>>) dst(%arg10 : memref<128x64xf32, #tpu.memory_space<vmem>>)
    %dma_start3A_160 = arith.constant 2 : i32
    %dma_start3A_161 = arith.constant 2 : i32
    %dma_start3A_162 = arith.constant 0 : i32
    %dma_start3A_163 = tpu.memref_slice %arg7[%dma_start3A_160, %dma_start3A_162] : memref<13x128xi32, #tpu.memory_space<vmem>> -> memref<1x128xi32, #tpu.memory_space<vmem>>
    %dma_start3A_164 = tpu.memref_squeeze %dma_start3A_163 : memref<1x128xi32, #tpu.memory_space<vmem>> -> memref<128xi32, #tpu.memory_space<vmem>>
    %dma_start3A_165 = arith.constant 0 : i32
    %dma_start3A_166 = arith.constant 0 : i32
    %dma_start3A_167 = tpu.memref_slice %arg12[%dma_start3A_165, %dma_start3A_166] : memref<640x64xf32, #tpu.memory_space<vmem_shared>> -> memref<640x64xf32, #tpu.memory_space<vmem_shared>>
    %dma_start3A_168 = tpu.memref_slice %arg16[%dma_start3A_161] : memref<4x!tpu.dma_semaphore, #tpu.memory_space<semaphore_mem>> -> memref<1x!tpu.dma_semaphore, #tpu.memory_space<semaphore_mem>>
    %dma_start3A_169 = tpu.memref_squeeze %dma_start3A_168 : memref<1x!tpu.dma_semaphore, #tpu.memory_space<semaphore_mem>> -> memref<!tpu.dma_semaphore, #tpu.memory_space<semaphore_mem>>
    tpu.enqueue_indirect_dma source(%arg10 : memref<128x64xf32, #tpu.memory_space<vmem>>) target(%dma_start3A_167 : memref<640x64xf32, #tpu.memory_space<vmem_shared>>) offsets(%dma_start3A_164 : memref<128xi32, #tpu.memory_space<vmem>>) semaphore(%dma_start3A_169 : memref<!tpu.dma_semaphore, #tpu.memory_space<semaphore_mem>>) {add = true}
    %dma_wait3A_170 = arith.constant 0 : i32
    %dma_wait3A_171 = arith.constant 0 : i32
    %dma_wait3A_172 = arith.constant 0 : i32
    %dma_wait3A_173 = tpu.memref_slice %arg7[%dma_wait3A_170, %dma_wait3A_172] : memref<13x128xi32, #tpu.memory_space<vmem>> -> memref<1x128xi32, #tpu.memory_space<vmem>>
    %dma_wait3A_174 = tpu.memref_squeeze %dma_wait3A_173 : memref<1x128xi32, #tpu.memory_space<vmem>> -> memref<128xi32, #tpu.memory_space<vmem>>
    %dma_wait3A_175 = arith.constant 0 : i32
    %dma_wait3A_176 = arith.constant 0 : i32
    %dma_wait3A_177 = tpu.memref_slice %arg12[%dma_wait3A_175, %dma_wait3A_176] : memref<640x64xf32, #tpu.memory_space<vmem_shared>> -> memref<640x64xf32, #tpu.memory_space<vmem_shared>>
    %dma_wait3A_178 = tpu.memref_slice %arg16[%dma_wait3A_171] : memref<4x!tpu.dma_semaphore, #tpu.memory_space<semaphore_mem>> -> memref<1x!tpu.dma_semaphore, #tpu.memory_space<semaphore_mem>>
    %dma_wait3A_179 = tpu.memref_squeeze %dma_wait3A_178 : memref<1x!tpu.dma_semaphore, #tpu.memory_space<semaphore_mem>> -> memref<!tpu.dma_semaphore, #tpu.memory_space<semaphore_mem>>
    tpu.wait_indirect_dma semaphore(%dma_wait3A_179 : memref<!tpu.dma_semaphore, #tpu.memory_space<semaphore_mem>>) src(%arg8 : memref<128x64xf32, #tpu.memory_space<vmem>>) dst(%dma_wait3A_177 : memref<640x64xf32, #tpu.memory_space<vmem_shared>>)
    %dma_start3A_180 = arith.constant 4 : i32
    %dma_start3A_181 = arith.constant 0 : i32
    %dma_start3A_182 = arith.constant 0 : i32
    %dma_start3A_183 = tpu.memref_slice %arg6[%dma_start3A_180, %dma_start3A_182] : memref<13x128xi32, #tpu.memory_space<vmem>> -> memref<1x128xi32, #tpu.memory_space<vmem>>
    %dma_start3A_184 = tpu.memref_squeeze %dma_start3A_183 : memref<1x128xi32, #tpu.memory_space<vmem>> -> memref<128xi32, #tpu.memory_space<vmem>>
    %dma_start3A_185 = arith.constant 0 : i32
    %dma_start3A_186 = arith.constant 0 : i32
    %dma_start3A_187 = tpu.memref_slice %arg4[%dma_start3A_185, %dma_start3A_186] : memref<1000000x64xf32, #tpu.memory_space<hbm>> -> memref<1000000x64xf32, #tpu.memory_space<hbm>>
    %dma_start3A_188 = tpu.memref_slice %arg15[%dma_start3A_181] : memref<4x!tpu.dma_semaphore, #tpu.memory_space<semaphore_mem>> -> memref<1x!tpu.dma_semaphore, #tpu.memory_space<semaphore_mem>>
    %dma_start3A_189 = tpu.memref_squeeze %dma_start3A_188 : memref<1x!tpu.dma_semaphore, #tpu.memory_space<semaphore_mem>> -> memref<!tpu.dma_semaphore, #tpu.memory_space<semaphore_mem>>
    tpu.enqueue_indirect_dma source(%dma_start3A_187 : memref<1000000x64xf32, #tpu.memory_space<hbm>>) target(%arg8 : memref<128x64xf32, #tpu.memory_space<vmem>>) offsets(%dma_start3A_184 : memref<128xi32, #tpu.memory_space<vmem>>) semaphore(%dma_start3A_189 : memref<!tpu.dma_semaphore, #tpu.memory_space<semaphore_mem>>)
    %dma_wait3A_190 = arith.constant 3 : i32
    %dma_wait3A_191 = arith.constant 3 : i32
    %dma_wait3A_192 = arith.constant 0 : i32
    %dma_wait3A_193 = tpu.memref_slice %arg6[%dma_wait3A_190, %dma_wait3A_192] : memref<13x128xi32, #tpu.memory_space<vmem>> -> memref<1x128xi32, #tpu.memory_space<vmem>>
    %dma_wait3A_194 = tpu.memref_squeeze %dma_wait3A_193 : memref<1x128xi32, #tpu.memory_space<vmem>> -> memref<128xi32, #tpu.memory_space<vmem>>
    %dma_wait3A_195 = arith.constant 0 : i32
    %dma_wait3A_196 = arith.constant 0 : i32
    %dma_wait3A_197 = tpu.memref_slice %arg4[%dma_wait3A_195, %dma_wait3A_196] : memref<1000000x64xf32, #tpu.memory_space<hbm>> -> memref<1000000x64xf32, #tpu.memory_space<hbm>>
    %dma_wait3A_198 = tpu.memref_slice %arg15[%dma_wait3A_191] : memref<4x!tpu.dma_semaphore, #tpu.memory_space<semaphore_mem>> -> memref<1x!tpu.dma_semaphore, #tpu.memory_space<semaphore_mem>>
    %dma_wait3A_199 = tpu.memref_squeeze %dma_wait3A_198 : memref<1x!tpu.dma_semaphore, #tpu.memory_space<semaphore_mem>> -> memref<!tpu.dma_semaphore, #tpu.memory_space<semaphore_mem>>
    tpu.wait_indirect_dma semaphore(%dma_wait3A_199 : memref<!tpu.dma_semaphore, #tpu.memory_space<semaphore_mem>>) src(%dma_wait3A_197 : memref<1000000x64xf32, #tpu.memory_space<hbm>>) dst(%arg11 : memref<128x64xf32, #tpu.memory_space<vmem>>)
    %dma_start3A_200 = arith.constant 3 : i32
    %dma_start3A_201 = arith.constant 3 : i32
    %dma_start3A_202 = arith.constant 0 : i32
    %dma_start3A_203 = tpu.memref_slice %arg7[%dma_start3A_200, %dma_start3A_202] : memref<13x128xi32, #tpu.memory_space<vmem>> -> memref<1x128xi32, #tpu.memory_space<vmem>>
    %dma_start3A_204 = tpu.memref_squeeze %dma_start3A_203 : memref<1x128xi32, #tpu.memory_space<vmem>> -> memref<128xi32, #tpu.memory_space<vmem>>
    %dma_start3A_205 = arith.constant 0 : i32
    %dma_start3A_206 = arith.constant 0 : i32
    %dma_start3A_207 = tpu.memref_slice %arg12[%dma_start3A_205, %dma_start3A_206] : memref<640x64xf32, #tpu.memory_space<vmem_shared>> -> memref<640x64xf32, #tpu.memory_space<vmem_shared>>
    %dma_start3A_208 = tpu.memref_slice %arg16[%dma_start3A_201] : memref<4x!tpu.dma_semaphore, #tpu.memory_space<semaphore_mem>> -> memref<1x!tpu.dma_semaphore, #tpu.memory_space<semaphore_mem>>
    %dma_start3A_209 = tpu.memref_squeeze %dma_start3A_208 : memref<1x!tpu.dma_semaphore, #tpu.memory_space<semaphore_mem>> -> memref<!tpu.dma_semaphore, #tpu.memory_space<semaphore_mem>>
    tpu.enqueue_indirect_dma source(%arg11 : memref<128x64xf32, #tpu.memory_space<vmem>>) target(%dma_start3A_207 : memref<640x64xf32, #tpu.memory_space<vmem_shared>>) offsets(%dma_start3A_204 : memref<128xi32, #tpu.memory_space<vmem>>) semaphore(%dma_start3A_209 : memref<!tpu.dma_semaphore, #tpu.memory_space<semaphore_mem>>) {add = true}
    %dma_wait3A_210 = arith.constant 1 : i32
    %dma_wait3A_211 = arith.constant 1 : i32
    %dma_wait3A_212 = arith.constant 0 : i32
    %dma_wait3A_213 = tpu.memref_slice %arg7[%dma_wait3A_210, %dma_wait3A_212] : memref<13x128xi32, #tpu.memory_space<vmem>> -> memref<1x128xi32, #tpu.memory_space<vmem>>
    %dma_wait3A_214 = tpu.memref_squeeze %dma_wait3A_213 : memref<1x128xi32, #tpu.memory_space<vmem>> -> memref<128xi32, #tpu.memory_space<vmem>>
    %dma_wait3A_215 = arith.constant 0 : i32
    %dma_wait3A_216 = arith.constant 0 : i32
    %dma_wait3A_217 = tpu.memref_slice %arg12[%dma_wait3A_215, %dma_wait3A_216] : memref<640x64xf32, #tpu.memory_space<vmem_shared>> -> memref<640x64xf32, #tpu.memory_space<vmem_shared>>
    %dma_wait3A_218 = tpu.memref_slice %arg16[%dma_wait3A_211] : memref<4x!tpu.dma_semaphore, #tpu.memory_space<semaphore_mem>> -> memref<1x!tpu.dma_semaphore, #tpu.memory_space<semaphore_mem>>
    %dma_wait3A_219 = tpu.memref_squeeze %dma_wait3A_218 : memref<1x!tpu.dma_semaphore, #tpu.memory_space<semaphore_mem>> -> memref<!tpu.dma_semaphore, #tpu.memory_space<semaphore_mem>>
    tpu.wait_indirect_dma semaphore(%dma_wait3A_219 : memref<!tpu.dma_semaphore, #tpu.memory_space<semaphore_mem>>) src(%arg9 : memref<128x64xf32, #tpu.memory_space<vmem>>) dst(%dma_wait3A_217 : memref<640x64xf32, #tpu.memory_space<vmem_shared>>)
    %dma_start3A_220 = arith.constant 5 : i32
    %dma_start3A_221 = arith.constant 1 : i32
    %dma_start3A_222 = arith.constant 0 : i32
    %dma_start3A_223 = tpu.memref_slice %arg6[%dma_start3A_220, %dma_start3A_222] : memref<13x128xi32, #tpu.memory_space<vmem>> -> memref<1x128xi32, #tpu.memory_space<vmem>>
    %dma_start3A_224 = tpu.memref_squeeze %dma_start3A_223 : memref<1x128xi32, #tpu.memory_space<vmem>> -> memref<128xi32, #tpu.memory_space<vmem>>
    %dma_start3A_225 = arith.constant 0 : i32
    %dma_start3A_226 = arith.constant 0 : i32
    %dma_start3A_227 = tpu.memref_slice %arg4[%dma_start3A_225, %dma_start3A_226] : memref<1000000x64xf32, #tpu.memory_space<hbm>> -> memref<1000000x64xf32, #tpu.memory_space<hbm>>
    %dma_start3A_228 = tpu.memref_slice %arg15[%dma_start3A_221] : memref<4x!tpu.dma_semaphore, #tpu.memory_space<semaphore_mem>> -> memref<1x!tpu.dma_semaphore, #tpu.memory_space<semaphore_mem>>
    %dma_start3A_229 = tpu.memref_squeeze %dma_start3A_228 : memref<1x!tpu.dma_semaphore, #tpu.memory_space<semaphore_mem>> -> memref<!tpu.dma_semaphore, #tpu.memory_space<semaphore_mem>>
    tpu.enqueue_indirect_dma source(%dma_start3A_227 : memref<1000000x64xf32, #tpu.memory_space<hbm>>) target(%arg9 : memref<128x64xf32, #tpu.memory_space<vmem>>) offsets(%dma_start3A_224 : memref<128xi32, #tpu.memory_space<vmem>>) semaphore(%dma_start3A_229 : memref<!tpu.dma_semaphore, #tpu.memory_space<semaphore_mem>>)
    %dma_wait3A_230 = arith.constant 4 : i32
    %dma_wait3A_231 = arith.constant 0 : i32
    %dma_wait3A_232 = arith.constant 0 : i32
    %dma_wait3A_233 = tpu.memref_slice %arg6[%dma_wait3A_230, %dma_wait3A_232] : memref<13x128xi32, #tpu.memory_space<vmem>> -> memref<1x128xi32, #tpu.memory_space<vmem>>
    %dma_wait3A_234 = tpu.memref_squeeze %dma_wait3A_233 : memref<1x128xi32, #tpu.memory_space<vmem>> -> memref<128xi32, #tpu.memory_space<vmem>>
    %dma_wait3A_235 = arith.constant 0 : i32
    %dma_wait3A_236 = arith.constant 0 : i32
    %dma_wait3A_237 = tpu.memref_slice %arg4[%dma_wait3A_235, %dma_wait3A_236] : memref<1000000x64xf32, #tpu.memory_space<hbm>> -> memref<1000000x64xf32, #tpu.memory_space<hbm>>
    %dma_wait3A_238 = tpu.memref_slice %arg15[%dma_wait3A_231] : memref<4x!tpu.dma_semaphore, #tpu.memory_space<semaphore_mem>> -> memref<1x!tpu.dma_semaphore, #tpu.memory_space<semaphore_mem>>
    %dma_wait3A_239 = tpu.memref_squeeze %dma_wait3A_238 : memref<1x!tpu.dma_semaphore, #tpu.memory_space<semaphore_mem>> -> memref<!tpu.dma_semaphore, #tpu.memory_space<semaphore_mem>>
    tpu.wait_indirect_dma semaphore(%dma_wait3A_239 : memref<!tpu.dma_semaphore, #tpu.memory_space<semaphore_mem>>) src(%dma_wait3A_237 : memref<1000000x64xf32, #tpu.memory_space<hbm>>) dst(%arg8 : memref<128x64xf32, #tpu.memory_space<vmem>>)
    %dma_start3A_240 = arith.constant 4 : i32
    %dma_start3A_241 = arith.constant 0 : i32
    %dma_start3A_242 = arith.constant 0 : i32
    %dma_start3A_243 = tpu.memref_slice %arg7[%dma_start3A_240, %dma_start3A_242] : memref<13x128xi32, #tpu.memory_space<vmem>> -> memref<1x128xi32, #tpu.memory_space<vmem>>
    %dma_start3A_244 = tpu.memref_squeeze %dma_start3A_243 : memref<1x128xi32, #tpu.memory_space<vmem>> -> memref<128xi32, #tpu.memory_space<vmem>>
    %dma_start3A_245 = arith.constant 0 : i32
    %dma_start3A_246 = arith.constant 0 : i32
    %dma_start3A_247 = tpu.memref_slice %arg12[%dma_start3A_245, %dma_start3A_246] : memref<640x64xf32, #tpu.memory_space<vmem_shared>> -> memref<640x64xf32, #tpu.memory_space<vmem_shared>>
    %dma_start3A_248 = tpu.memref_slice %arg16[%dma_start3A_241] : memref<4x!tpu.dma_semaphore, #tpu.memory_space<semaphore_mem>> -> memref<1x!tpu.dma_semaphore, #tpu.memory_space<semaphore_mem>>
    %dma_start3A_249 = tpu.memref_squeeze %dma_start3A_248 : memref<1x!tpu.dma_semaphore, #tpu.memory_space<semaphore_mem>> -> memref<!tpu.dma_semaphore, #tpu.memory_space<semaphore_mem>>
    tpu.enqueue_indirect_dma source(%arg8 : memref<128x64xf32, #tpu.memory_space<vmem>>) target(%dma_start3A_247 : memref<640x64xf32, #tpu.memory_space<vmem_shared>>) offsets(%dma_start3A_244 : memref<128xi32, #tpu.memory_space<vmem>>) semaphore(%dma_start3A_249 : memref<!tpu.dma_semaphore, #tpu.memory_space<semaphore_mem>>) {add = true}
    %dma_wait3A_250 = arith.constant 2 : i32
    %dma_wait3A_251 = arith.constant 2 : i32
    %dma_wait3A_252 = arith.constant 0 : i32
    %dma_wait3A_253 = tpu.memref_slice %arg7[%dma_wait3A_250, %dma_wait3A_252] : memref<13x128xi32, #tpu.memory_space<vmem>> -> memref<1x128xi32, #tpu.memory_space<vmem>>
    %dma_wait3A_254 = tpu.memref_squeeze %dma_wait3A_253 : memref<1x128xi32, #tpu.memory_space<vmem>> -> memref<128xi32, #tpu.memory_space<vmem>>
    %dma_wait3A_255 = arith.constant 0 : i32
    %dma_wait3A_256 = arith.constant 0 : i32
    %dma_wait3A_257 = tpu.memref_slice %arg12[%dma_wait3A_255, %dma_wait3A_256] : memref<640x64xf32, #tpu.memory_space<vmem_shared>> -> memref<640x64xf32, #tpu.memory_space<vmem_shared>>
    %dma_wait3A_258 = tpu.memref_slice %arg16[%dma_wait3A_251] : memref<4x!tpu.dma_semaphore, #tpu.memory_space<semaphore_mem>> -> memref<1x!tpu.dma_semaphore, #tpu.memory_space<semaphore_mem>>
    %dma_wait3A_259 = tpu.memref_squeeze %dma_wait3A_258 : memref<1x!tpu.dma_semaphore, #tpu.memory_space<semaphore_mem>> -> memref<!tpu.dma_semaphore, #tpu.memory_space<semaphore_mem>>
    tpu.wait_indirect_dma semaphore(%dma_wait3A_259 : memref<!tpu.dma_semaphore, #tpu.memory_space<semaphore_mem>>) src(%arg10 : memref<128x64xf32, #tpu.memory_space<vmem>>) dst(%dma_wait3A_257 : memref<640x64xf32, #tpu.memory_space<vmem_shared>>)
    %dma_start3A_260 = arith.constant 6 : i32
    %dma_start3A_261 = arith.constant 2 : i32
    %dma_start3A_262 = arith.constant 0 : i32
    %dma_start3A_263 = tpu.memref_slice %arg6[%dma_start3A_260, %dma_start3A_262] : memref<13x128xi32, #tpu.memory_space<vmem>> -> memref<1x128xi32, #tpu.memory_space<vmem>>
    %dma_start3A_264 = tpu.memref_squeeze %dma_start3A_263 : memref<1x128xi32, #tpu.memory_space<vmem>> -> memref<128xi32, #tpu.memory_space<vmem>>
    %dma_start3A_265 = arith.constant 0 : i32
    %dma_start3A_266 = arith.constant 0 : i32
    %dma_start3A_267 = tpu.memref_slice %arg4[%dma_start3A_265, %dma_start3A_266] : memref<1000000x64xf32, #tpu.memory_space<hbm>> -> memref<1000000x64xf32, #tpu.memory_space<hbm>>
    %dma_start3A_268 = tpu.memref_slice %arg15[%dma_start3A_261] : memref<4x!tpu.dma_semaphore, #tpu.memory_space<semaphore_mem>> -> memref<1x!tpu.dma_semaphore, #tpu.memory_space<semaphore_mem>>
    %dma_start3A_269 = tpu.memref_squeeze %dma_start3A_268 : memref<1x!tpu.dma_semaphore, #tpu.memory_space<semaphore_mem>> -> memref<!tpu.dma_semaphore, #tpu.memory_space<semaphore_mem>>
    tpu.enqueue_indirect_dma source(%dma_start3A_267 : memref<1000000x64xf32, #tpu.memory_space<hbm>>) target(%arg10 : memref<128x64xf32, #tpu.memory_space<vmem>>) offsets(%dma_start3A_264 : memref<128xi32, #tpu.memory_space<vmem>>) semaphore(%dma_start3A_269 : memref<!tpu.dma_semaphore, #tpu.memory_space<semaphore_mem>>)
    %dma_wait3A_270 = arith.constant 5 : i32
    %dma_wait3A_271 = arith.constant 1 : i32
    %dma_wait3A_272 = arith.constant 0 : i32
    %dma_wait3A_273 = tpu.memref_slice %arg6[%dma_wait3A_270, %dma_wait3A_272] : memref<13x128xi32, #tpu.memory_space<vmem>> -> memref<1x128xi32, #tpu.memory_space<vmem>>
    %dma_wait3A_274 = tpu.memref_squeeze %dma_wait3A_273 : memref<1x128xi32, #tpu.memory_space<vmem>> -> memref<128xi32, #tpu.memory_space<vmem>>
    %dma_wait3A_275 = arith.constant 0 : i32
    %dma_wait3A_276 = arith.constant 0 : i32
    %dma_wait3A_277 = tpu.memref_slice %arg4[%dma_wait3A_275, %dma_wait3A_276] : memref<1000000x64xf32, #tpu.memory_space<hbm>> -> memref<1000000x64xf32, #tpu.memory_space<hbm>>
    %dma_wait3A_278 = tpu.memref_slice %arg15[%dma_wait3A_271] : memref<4x!tpu.dma_semaphore, #tpu.memory_space<semaphore_mem>> -> memref<1x!tpu.dma_semaphore, #tpu.memory_space<semaphore_mem>>
    %dma_wait3A_279 = tpu.memref_squeeze %dma_wait3A_278 : memref<1x!tpu.dma_semaphore, #tpu.memory_space<semaphore_mem>> -> memref<!tpu.dma_semaphore, #tpu.memory_space<semaphore_mem>>
    tpu.wait_indirect_dma semaphore(%dma_wait3A_279 : memref<!tpu.dma_semaphore, #tpu.memory_space<semaphore_mem>>) src(%dma_wait3A_277 : memref<1000000x64xf32, #tpu.memory_space<hbm>>) dst(%arg9 : memref<128x64xf32, #tpu.memory_space<vmem>>)
    %dma_start3A_280 = arith.constant 5 : i32
    %dma_start3A_281 = arith.constant 1 : i32
    %dma_start3A_282 = arith.constant 0 : i32
    %dma_start3A_283 = tpu.memref_slice %arg7[%dma_start3A_280, %dma_start3A_282] : memref<13x128xi32, #tpu.memory_space<vmem>> -> memref<1x128xi32, #tpu.memory_space<vmem>>
    %dma_start3A_284 = tpu.memref_squeeze %dma_start3A_283 : memref<1x128xi32, #tpu.memory_space<vmem>> -> memref<128xi32, #tpu.memory_space<vmem>>
    %dma_start3A_285 = arith.constant 0 : i32
    %dma_start3A_286 = arith.constant 0 : i32
    %dma_start3A_287 = tpu.memref_slice %arg12[%dma_start3A_285, %dma_start3A_286] : memref<640x64xf32, #tpu.memory_space<vmem_shared>> -> memref<640x64xf32, #tpu.memory_space<vmem_shared>>
    %dma_start3A_288 = tpu.memref_slice %arg16[%dma_start3A_281] : memref<4x!tpu.dma_semaphore, #tpu.memory_space<semaphore_mem>> -> memref<1x!tpu.dma_semaphore, #tpu.memory_space<semaphore_mem>>
    %dma_start3A_289 = tpu.memref_squeeze %dma_start3A_288 : memref<1x!tpu.dma_semaphore, #tpu.memory_space<semaphore_mem>> -> memref<!tpu.dma_semaphore, #tpu.memory_space<semaphore_mem>>
    tpu.enqueue_indirect_dma source(%arg9 : memref<128x64xf32, #tpu.memory_space<vmem>>) target(%dma_start3A_287 : memref<640x64xf32, #tpu.memory_space<vmem_shared>>) offsets(%dma_start3A_284 : memref<128xi32, #tpu.memory_space<vmem>>) semaphore(%dma_start3A_289 : memref<!tpu.dma_semaphore, #tpu.memory_space<semaphore_mem>>) {add = true}
    %dma_wait3A_290 = arith.constant 3 : i32
    %dma_wait3A_291 = arith.constant 3 : i32
    %dma_wait3A_292 = arith.constant 0 : i32
    %dma_wait3A_293 = tpu.memref_slice %arg7[%dma_wait3A_290, %dma_wait3A_292] : memref<13x128xi32, #tpu.memory_space<vmem>> -> memref<1x128xi32, #tpu.memory_space<vmem>>
    %dma_wait3A_294 = tpu.memref_squeeze %dma_wait3A_293 : memref<1x128xi32, #tpu.memory_space<vmem>> -> memref<128xi32, #tpu.memory_space<vmem>>
    %dma_wait3A_295 = arith.constant 0 : i32
    %dma_wait3A_296 = arith.constant 0 : i32
    %dma_wait3A_297 = tpu.memref_slice %arg12[%dma_wait3A_295, %dma_wait3A_296] : memref<640x64xf32, #tpu.memory_space<vmem_shared>> -> memref<640x64xf32, #tpu.memory_space<vmem_shared>>
    %dma_wait3A_298 = tpu.memref_slice %arg16[%dma_wait3A_291] : memref<4x!tpu.dma_semaphore, #tpu.memory_space<semaphore_mem>> -> memref<1x!tpu.dma_semaphore, #tpu.memory_space<semaphore_mem>>
    %dma_wait3A_299 = tpu.memref_squeeze %dma_wait3A_298 : memref<1x!tpu.dma_semaphore, #tpu.memory_space<semaphore_mem>> -> memref<!tpu.dma_semaphore, #tpu.memory_space<semaphore_mem>>
    tpu.wait_indirect_dma semaphore(%dma_wait3A_299 : memref<!tpu.dma_semaphore, #tpu.memory_space<semaphore_mem>>) src(%arg11 : memref<128x64xf32, #tpu.memory_space<vmem>>) dst(%dma_wait3A_297 : memref<640x64xf32, #tpu.memory_space<vmem_shared>>)
    %dma_start3A_300 = arith.constant 7 : i32
    %dma_start3A_301 = arith.constant 3 : i32
    %dma_start3A_302 = arith.constant 0 : i32
    %dma_start3A_303 = tpu.memref_slice %arg6[%dma_start3A_300, %dma_start3A_302] : memref<13x128xi32, #tpu.memory_space<vmem>> -> memref<1x128xi32, #tpu.memory_space<vmem>>
    %dma_start3A_304 = tpu.memref_squeeze %dma_start3A_303 : memref<1x128xi32, #tpu.memory_space<vmem>> -> memref<128xi32, #tpu.memory_space<vmem>>
    %dma_start3A_305 = arith.constant 0 : i32
    %dma_start3A_306 = arith.constant 0 : i32
    %dma_start3A_307 = tpu.memref_slice %arg4[%dma_start3A_305, %dma_start3A_306] : memref<1000000x64xf32, #tpu.memory_space<hbm>> -> memref<1000000x64xf32, #tpu.memory_space<hbm>>
    %dma_start3A_308 = tpu.memref_slice %arg15[%dma_start3A_301] : memref<4x!tpu.dma_semaphore, #tpu.memory_space<semaphore_mem>> -> memref<1x!tpu.dma_semaphore, #tpu.memory_space<semaphore_mem>>
    %dma_start3A_309 = tpu.memref_squeeze %dma_start3A_308 : memref<1x!tpu.dma_semaphore, #tpu.memory_space<semaphore_mem>> -> memref<!tpu.dma_semaphore, #tpu.memory_space<semaphore_mem>>
    tpu.enqueue_indirect_dma source(%dma_start3A_307 : memref<1000000x64xf32, #tpu.memory_space<hbm>>) target(%arg11 : memref<128x64xf32, #tpu.memory_space<vmem>>) offsets(%dma_start3A_304 : memref<128xi32, #tpu.memory_space<vmem>>) semaphore(%dma_start3A_309 : memref<!tpu.dma_semaphore, #tpu.memory_space<semaphore_mem>>)
    %dma_wait3A_310 = arith.constant 6 : i32
    %dma_wait3A_311 = arith.constant 2 : i32
    %dma_wait3A_312 = arith.constant 0 : i32
    %dma_wait3A_313 = tpu.memref_slice %arg6[%dma_wait3A_310, %dma_wait3A_312] : memref<13x128xi32, #tpu.memory_space<vmem>> -> memref<1x128xi32, #tpu.memory_space<vmem>>
    %dma_wait3A_314 = tpu.memref_squeeze %dma_wait3A_313 : memref<1x128xi32, #tpu.memory_space<vmem>> -> memref<128xi32, #tpu.memory_space<vmem>>
    %dma_wait3A_315 = arith.constant 0 : i32
    %dma_wait3A_316 = arith.constant 0 : i32
    %dma_wait3A_317 = tpu.memref_slice %arg4[%dma_wait3A_315, %dma_wait3A_316] : memref<1000000x64xf32, #tpu.memory_space<hbm>> -> memref<1000000x64xf32, #tpu.memory_space<hbm>>
    %dma_wait3A_318 = tpu.memref_slice %arg15[%dma_wait3A_311] : memref<4x!tpu.dma_semaphore, #tpu.memory_space<semaphore_mem>> -> memref<1x!tpu.dma_semaphore, #tpu.memory_space<semaphore_mem>>
    %dma_wait3A_319 = tpu.memref_squeeze %dma_wait3A_318 : memref<1x!tpu.dma_semaphore, #tpu.memory_space<semaphore_mem>> -> memref<!tpu.dma_semaphore, #tpu.memory_space<semaphore_mem>>
    tpu.wait_indirect_dma semaphore(%dma_wait3A_319 : memref<!tpu.dma_semaphore, #tpu.memory_space<semaphore_mem>>) src(%dma_wait3A_317 : memref<1000000x64xf32, #tpu.memory_space<hbm>>) dst(%arg10 : memref<128x64xf32, #tpu.memory_space<vmem>>)
    %dma_start3A_320 = arith.constant 6 : i32
    %dma_start3A_321 = arith.constant 2 : i32
    %dma_start3A_322 = arith.constant 0 : i32
    %dma_start3A_323 = tpu.memref_slice %arg7[%dma_start3A_320, %dma_start3A_322] : memref<13x128xi32, #tpu.memory_space<vmem>> -> memref<1x128xi32, #tpu.memory_space<vmem>>
    %dma_start3A_324 = tpu.memref_squeeze %dma_start3A_323 : memref<1x128xi32, #tpu.memory_space<vmem>> -> memref<128xi32, #tpu.memory_space<vmem>>
    %dma_start3A_325 = arith.constant 0 : i32
    %dma_start3A_326 = arith.constant 0 : i32
    %dma_start3A_327 = tpu.memref_slice %arg12[%dma_start3A_325, %dma_start3A_326] : memref<640x64xf32, #tpu.memory_space<vmem_shared>> -> memref<640x64xf32, #tpu.memory_space<vmem_shared>>
    %dma_start3A_328 = tpu.memref_slice %arg16[%dma_start3A_321] : memref<4x!tpu.dma_semaphore, #tpu.memory_space<semaphore_mem>> -> memref<1x!tpu.dma_semaphore, #tpu.memory_space<semaphore_mem>>
    %dma_start3A_329 = tpu.memref_squeeze %dma_start3A_328 : memref<1x!tpu.dma_semaphore, #tpu.memory_space<semaphore_mem>> -> memref<!tpu.dma_semaphore, #tpu.memory_space<semaphore_mem>>
    tpu.enqueue_indirect_dma source(%arg10 : memref<128x64xf32, #tpu.memory_space<vmem>>) target(%dma_start3A_327 : memref<640x64xf32, #tpu.memory_space<vmem_shared>>) offsets(%dma_start3A_324 : memref<128xi32, #tpu.memory_space<vmem>>) semaphore(%dma_start3A_329 : memref<!tpu.dma_semaphore, #tpu.memory_space<semaphore_mem>>) {add = true}
    %dma_wait3A_330 = arith.constant 4 : i32
    %dma_wait3A_331 = arith.constant 0 : i32
    %dma_wait3A_332 = arith.constant 0 : i32
    %dma_wait3A_333 = tpu.memref_slice %arg7[%dma_wait3A_330, %dma_wait3A_332] : memref<13x128xi32, #tpu.memory_space<vmem>> -> memref<1x128xi32, #tpu.memory_space<vmem>>
    %dma_wait3A_334 = tpu.memref_squeeze %dma_wait3A_333 : memref<1x128xi32, #tpu.memory_space<vmem>> -> memref<128xi32, #tpu.memory_space<vmem>>
    %dma_wait3A_335 = arith.constant 0 : i32
    %dma_wait3A_336 = arith.constant 0 : i32
    %dma_wait3A_337 = tpu.memref_slice %arg12[%dma_wait3A_335, %dma_wait3A_336] : memref<640x64xf32, #tpu.memory_space<vmem_shared>> -> memref<640x64xf32, #tpu.memory_space<vmem_shared>>
    %dma_wait3A_338 = tpu.memref_slice %arg16[%dma_wait3A_331] : memref<4x!tpu.dma_semaphore, #tpu.memory_space<semaphore_mem>> -> memref<1x!tpu.dma_semaphore, #tpu.memory_space<semaphore_mem>>
    %dma_wait3A_339 = tpu.memref_squeeze %dma_wait3A_338 : memref<1x!tpu.dma_semaphore, #tpu.memory_space<semaphore_mem>> -> memref<!tpu.dma_semaphore, #tpu.memory_space<semaphore_mem>>
    tpu.wait_indirect_dma semaphore(%dma_wait3A_339 : memref<!tpu.dma_semaphore, #tpu.memory_space<semaphore_mem>>) src(%arg8 : memref<128x64xf32, #tpu.memory_space<vmem>>) dst(%dma_wait3A_337 : memref<640x64xf32, #tpu.memory_space<vmem_shared>>)
    %dma_start3A_340 = arith.constant 8 : i32
    %dma_start3A_341 = arith.constant 0 : i32
    %dma_start3A_342 = arith.constant 0 : i32
    %dma_start3A_343 = tpu.memref_slice %arg6[%dma_start3A_340, %dma_start3A_342] : memref<13x128xi32, #tpu.memory_space<vmem>> -> memref<1x128xi32, #tpu.memory_space<vmem>>
    %dma_start3A_344 = tpu.memref_squeeze %dma_start3A_343 : memref<1x128xi32, #tpu.memory_space<vmem>> -> memref<128xi32, #tpu.memory_space<vmem>>
    %dma_start3A_345 = arith.constant 0 : i32
    %dma_start3A_346 = arith.constant 0 : i32
    %dma_start3A_347 = tpu.memref_slice %arg4[%dma_start3A_345, %dma_start3A_346] : memref<1000000x64xf32, #tpu.memory_space<hbm>> -> memref<1000000x64xf32, #tpu.memory_space<hbm>>
    %dma_start3A_348 = tpu.memref_slice %arg15[%dma_start3A_341] : memref<4x!tpu.dma_semaphore, #tpu.memory_space<semaphore_mem>> -> memref<1x!tpu.dma_semaphore, #tpu.memory_space<semaphore_mem>>
    %dma_start3A_349 = tpu.memref_squeeze %dma_start3A_348 : memref<1x!tpu.dma_semaphore, #tpu.memory_space<semaphore_mem>> -> memref<!tpu.dma_semaphore, #tpu.memory_space<semaphore_mem>>
    tpu.enqueue_indirect_dma source(%dma_start3A_347 : memref<1000000x64xf32, #tpu.memory_space<hbm>>) target(%arg8 : memref<128x64xf32, #tpu.memory_space<vmem>>) offsets(%dma_start3A_344 : memref<128xi32, #tpu.memory_space<vmem>>) semaphore(%dma_start3A_349 : memref<!tpu.dma_semaphore, #tpu.memory_space<semaphore_mem>>)
    %dma_wait3A_350 = arith.constant 7 : i32
    %dma_wait3A_351 = arith.constant 3 : i32
    %dma_wait3A_352 = arith.constant 0 : i32
    %dma_wait3A_353 = tpu.memref_slice %arg6[%dma_wait3A_350, %dma_wait3A_352] : memref<13x128xi32, #tpu.memory_space<vmem>> -> memref<1x128xi32, #tpu.memory_space<vmem>>
    %dma_wait3A_354 = tpu.memref_squeeze %dma_wait3A_353 : memref<1x128xi32, #tpu.memory_space<vmem>> -> memref<128xi32, #tpu.memory_space<vmem>>
    %dma_wait3A_355 = arith.constant 0 : i32
    %dma_wait3A_356 = arith.constant 0 : i32
    %dma_wait3A_357 = tpu.memref_slice %arg4[%dma_wait3A_355, %dma_wait3A_356] : memref<1000000x64xf32, #tpu.memory_space<hbm>> -> memref<1000000x64xf32, #tpu.memory_space<hbm>>
    %dma_wait3A_358 = tpu.memref_slice %arg15[%dma_wait3A_351] : memref<4x!tpu.dma_semaphore, #tpu.memory_space<semaphore_mem>> -> memref<1x!tpu.dma_semaphore, #tpu.memory_space<semaphore_mem>>
    %dma_wait3A_359 = tpu.memref_squeeze %dma_wait3A_358 : memref<1x!tpu.dma_semaphore, #tpu.memory_space<semaphore_mem>> -> memref<!tpu.dma_semaphore, #tpu.memory_space<semaphore_mem>>
    tpu.wait_indirect_dma semaphore(%dma_wait3A_359 : memref<!tpu.dma_semaphore, #tpu.memory_space<semaphore_mem>>) src(%dma_wait3A_357 : memref<1000000x64xf32, #tpu.memory_space<hbm>>) dst(%arg11 : memref<128x64xf32, #tpu.memory_space<vmem>>)
    %dma_start3A_360 = arith.constant 7 : i32
    %dma_start3A_361 = arith.constant 3 : i32
    %dma_start3A_362 = arith.constant 0 : i32
    %dma_start3A_363 = tpu.memref_slice %arg7[%dma_start3A_360, %dma_start3A_362] : memref<13x128xi32, #tpu.memory_space<vmem>> -> memref<1x128xi32, #tpu.memory_space<vmem>>
    %dma_start3A_364 = tpu.memref_squeeze %dma_start3A_363 : memref<1x128xi32, #tpu.memory_space<vmem>> -> memref<128xi32, #tpu.memory_space<vmem>>
    %dma_start3A_365 = arith.constant 0 : i32
    %dma_start3A_366 = arith.constant 0 : i32
    %dma_start3A_367 = tpu.memref_slice %arg12[%dma_start3A_365, %dma_start3A_366] : memref<640x64xf32, #tpu.memory_space<vmem_shared>> -> memref<640x64xf32, #tpu.memory_space<vmem_shared>>
    %dma_start3A_368 = tpu.memref_slice %arg16[%dma_start3A_361] : memref<4x!tpu.dma_semaphore, #tpu.memory_space<semaphore_mem>> -> memref<1x!tpu.dma_semaphore, #tpu.memory_space<semaphore_mem>>
    %dma_start3A_369 = tpu.memref_squeeze %dma_start3A_368 : memref<1x!tpu.dma_semaphore, #tpu.memory_space<semaphore_mem>> -> memref<!tpu.dma_semaphore, #tpu.memory_space<semaphore_mem>>
    tpu.enqueue_indirect_dma source(%arg11 : memref<128x64xf32, #tpu.memory_space<vmem>>) target(%dma_start3A_367 : memref<640x64xf32, #tpu.memory_space<vmem_shared>>) offsets(%dma_start3A_364 : memref<128xi32, #tpu.memory_space<vmem>>) semaphore(%dma_start3A_369 : memref<!tpu.dma_semaphore, #tpu.memory_space<semaphore_mem>>) {add = true}
    %dma_wait3A_370 = arith.constant 5 : i32
    %dma_wait3A_371 = arith.constant 1 : i32
    %dma_wait3A_372 = arith.constant 0 : i32
    %dma_wait3A_373 = tpu.memref_slice %arg7[%dma_wait3A_370, %dma_wait3A_372] : memref<13x128xi32, #tpu.memory_space<vmem>> -> memref<1x128xi32, #tpu.memory_space<vmem>>
    %dma_wait3A_374 = tpu.memref_squeeze %dma_wait3A_373 : memref<1x128xi32, #tpu.memory_space<vmem>> -> memref<128xi32, #tpu.memory_space<vmem>>
    %dma_wait3A_375 = arith.constant 0 : i32
    %dma_wait3A_376 = arith.constant 0 : i32
    %dma_wait3A_377 = tpu.memref_slice %arg12[%dma_wait3A_375, %dma_wait3A_376] : memref<640x64xf32, #tpu.memory_space<vmem_shared>> -> memref<640x64xf32, #tpu.memory_space<vmem_shared>>
    %dma_wait3A_378 = tpu.memref_slice %arg16[%dma_wait3A_371] : memref<4x!tpu.dma_semaphore, #tpu.memory_space<semaphore_mem>> -> memref<1x!tpu.dma_semaphore, #tpu.memory_space<semaphore_mem>>
    %dma_wait3A_379 = tpu.memref_squeeze %dma_wait3A_378 : memref<1x!tpu.dma_semaphore, #tpu.memory_space<semaphore_mem>> -> memref<!tpu.dma_semaphore, #tpu.memory_space<semaphore_mem>>
    tpu.wait_indirect_dma semaphore(%dma_wait3A_379 : memref<!tpu.dma_semaphore, #tpu.memory_space<semaphore_mem>>) src(%arg9 : memref<128x64xf32, #tpu.memory_space<vmem>>) dst(%dma_wait3A_377 : memref<640x64xf32, #tpu.memory_space<vmem_shared>>)
    %dma_start3A_380 = arith.constant 9 : i32
    %dma_start3A_381 = arith.constant 1 : i32
    %dma_start3A_382 = arith.constant 0 : i32
    %dma_start3A_383 = tpu.memref_slice %arg6[%dma_start3A_380, %dma_start3A_382] : memref<13x128xi32, #tpu.memory_space<vmem>> -> memref<1x128xi32, #tpu.memory_space<vmem>>
    %dma_start3A_384 = tpu.memref_squeeze %dma_start3A_383 : memref<1x128xi32, #tpu.memory_space<vmem>> -> memref<128xi32, #tpu.memory_space<vmem>>
    %dma_start3A_385 = arith.constant 0 : i32
    %dma_start3A_386 = arith.constant 0 : i32
    %dma_start3A_387 = tpu.memref_slice %arg4[%dma_start3A_385, %dma_start3A_386] : memref<1000000x64xf32, #tpu.memory_space<hbm>> -> memref<1000000x64xf32, #tpu.memory_space<hbm>>
    %dma_start3A_388 = tpu.memref_slice %arg15[%dma_start3A_381] : memref<4x!tpu.dma_semaphore, #tpu.memory_space<semaphore_mem>> -> memref<1x!tpu.dma_semaphore, #tpu.memory_space<semaphore_mem>>
    %dma_start3A_389 = tpu.memref_squeeze %dma_start3A_388 : memref<1x!tpu.dma_semaphore, #tpu.memory_space<semaphore_mem>> -> memref<!tpu.dma_semaphore, #tpu.memory_space<semaphore_mem>>
    tpu.enqueue_indirect_dma source(%dma_start3A_387 : memref<1000000x64xf32, #tpu.memory_space<hbm>>) target(%arg9 : memref<128x64xf32, #tpu.memory_space<vmem>>) offsets(%dma_start3A_384 : memref<128xi32, #tpu.memory_space<vmem>>) semaphore(%dma_start3A_389 : memref<!tpu.dma_semaphore, #tpu.memory_space<semaphore_mem>>)
    %dma_wait3A_390 = arith.constant 8 : i32
    %dma_wait3A_391 = arith.constant 0 : i32
    %dma_wait3A_392 = arith.constant 0 : i32
    %dma_wait3A_393 = tpu.memref_slice %arg6[%dma_wait3A_390, %dma_wait3A_392] : memref<13x128xi32, #tpu.memory_space<vmem>> -> memref<1x128xi32, #tpu.memory_space<vmem>>
    %dma_wait3A_394 = tpu.memref_squeeze %dma_wait3A_393 : memref<1x128xi32, #tpu.memory_space<vmem>> -> memref<128xi32, #tpu.memory_space<vmem>>
    %dma_wait3A_395 = arith.constant 0 : i32
    %dma_wait3A_396 = arith.constant 0 : i32
    %dma_wait3A_397 = tpu.memref_slice %arg4[%dma_wait3A_395, %dma_wait3A_396] : memref<1000000x64xf32, #tpu.memory_space<hbm>> -> memref<1000000x64xf32, #tpu.memory_space<hbm>>
    %dma_wait3A_398 = tpu.memref_slice %arg15[%dma_wait3A_391] : memref<4x!tpu.dma_semaphore, #tpu.memory_space<semaphore_mem>> -> memref<1x!tpu.dma_semaphore, #tpu.memory_space<semaphore_mem>>
    %dma_wait3A_399 = tpu.memref_squeeze %dma_wait3A_398 : memref<1x!tpu.dma_semaphore, #tpu.memory_space<semaphore_mem>> -> memref<!tpu.dma_semaphore, #tpu.memory_space<semaphore_mem>>
    tpu.wait_indirect_dma semaphore(%dma_wait3A_399 : memref<!tpu.dma_semaphore, #tpu.memory_space<semaphore_mem>>) src(%dma_wait3A_397 : memref<1000000x64xf32, #tpu.memory_space<hbm>>) dst(%arg8 : memref<128x64xf32, #tpu.memory_space<vmem>>)
    %dma_start3A_400 = arith.constant 8 : i32
    %dma_start3A_401 = arith.constant 0 : i32
    %dma_start3A_402 = arith.constant 0 : i32
    %dma_start3A_403 = tpu.memref_slice %arg7[%dma_start3A_400, %dma_start3A_402] : memref<13x128xi32, #tpu.memory_space<vmem>> -> memref<1x128xi32, #tpu.memory_space<vmem>>
    %dma_start3A_404 = tpu.memref_squeeze %dma_start3A_403 : memref<1x128xi32, #tpu.memory_space<vmem>> -> memref<128xi32, #tpu.memory_space<vmem>>
    %dma_start3A_405 = arith.constant 0 : i32
    %dma_start3A_406 = arith.constant 0 : i32
    %dma_start3A_407 = tpu.memref_slice %arg12[%dma_start3A_405, %dma_start3A_406] : memref<640x64xf32, #tpu.memory_space<vmem_shared>> -> memref<640x64xf32, #tpu.memory_space<vmem_shared>>
    %dma_start3A_408 = tpu.memref_slice %arg16[%dma_start3A_401] : memref<4x!tpu.dma_semaphore, #tpu.memory_space<semaphore_mem>> -> memref<1x!tpu.dma_semaphore, #tpu.memory_space<semaphore_mem>>
    %dma_start3A_409 = tpu.memref_squeeze %dma_start3A_408 : memref<1x!tpu.dma_semaphore, #tpu.memory_space<semaphore_mem>> -> memref<!tpu.dma_semaphore, #tpu.memory_space<semaphore_mem>>
    tpu.enqueue_indirect_dma source(%arg8 : memref<128x64xf32, #tpu.memory_space<vmem>>) target(%dma_start3A_407 : memref<640x64xf32, #tpu.memory_space<vmem_shared>>) offsets(%dma_start3A_404 : memref<128xi32, #tpu.memory_space<vmem>>) semaphore(%dma_start3A_409 : memref<!tpu.dma_semaphore, #tpu.memory_space<semaphore_mem>>) {add = true}
    %dma_wait3A_410 = arith.constant 6 : i32
    %dma_wait3A_411 = arith.constant 2 : i32
    %dma_wait3A_412 = arith.constant 0 : i32
    %dma_wait3A_413 = tpu.memref_slice %arg7[%dma_wait3A_410, %dma_wait3A_412] : memref<13x128xi32, #tpu.memory_space<vmem>> -> memref<1x128xi32, #tpu.memory_space<vmem>>
    %dma_wait3A_414 = tpu.memref_squeeze %dma_wait3A_413 : memref<1x128xi32, #tpu.memory_space<vmem>> -> memref<128xi32, #tpu.memory_space<vmem>>
    %dma_wait3A_415 = arith.constant 0 : i32
    %dma_wait3A_416 = arith.constant 0 : i32
    %dma_wait3A_417 = tpu.memref_slice %arg12[%dma_wait3A_415, %dma_wait3A_416] : memref<640x64xf32, #tpu.memory_space<vmem_shared>> -> memref<640x64xf32, #tpu.memory_space<vmem_shared>>
    %dma_wait3A_418 = tpu.memref_slice %arg16[%dma_wait3A_411] : memref<4x!tpu.dma_semaphore, #tpu.memory_space<semaphore_mem>> -> memref<1x!tpu.dma_semaphore, #tpu.memory_space<semaphore_mem>>
    %dma_wait3A_419 = tpu.memref_squeeze %dma_wait3A_418 : memref<1x!tpu.dma_semaphore, #tpu.memory_space<semaphore_mem>> -> memref<!tpu.dma_semaphore, #tpu.memory_space<semaphore_mem>>
    tpu.wait_indirect_dma semaphore(%dma_wait3A_419 : memref<!tpu.dma_semaphore, #tpu.memory_space<semaphore_mem>>) src(%arg10 : memref<128x64xf32, #tpu.memory_space<vmem>>) dst(%dma_wait3A_417 : memref<640x64xf32, #tpu.memory_space<vmem_shared>>)
    %dma_start3A_420 = arith.constant 10 : i32
    %dma_start3A_421 = arith.constant 2 : i32
    %dma_start3A_422 = arith.constant 0 : i32
    %dma_start3A_423 = tpu.memref_slice %arg6[%dma_start3A_420, %dma_start3A_422] : memref<13x128xi32, #tpu.memory_space<vmem>> -> memref<1x128xi32, #tpu.memory_space<vmem>>
    %dma_start3A_424 = tpu.memref_squeeze %dma_start3A_423 : memref<1x128xi32, #tpu.memory_space<vmem>> -> memref<128xi32, #tpu.memory_space<vmem>>
    %dma_start3A_425 = arith.constant 0 : i32
    %dma_start3A_426 = arith.constant 0 : i32
    %dma_start3A_427 = tpu.memref_slice %arg4[%dma_start3A_425, %dma_start3A_426] : memref<1000000x64xf32, #tpu.memory_space<hbm>> -> memref<1000000x64xf32, #tpu.memory_space<hbm>>
    %dma_start3A_428 = tpu.memref_slice %arg15[%dma_start3A_421] : memref<4x!tpu.dma_semaphore, #tpu.memory_space<semaphore_mem>> -> memref<1x!tpu.dma_semaphore, #tpu.memory_space<semaphore_mem>>
    %dma_start3A_429 = tpu.memref_squeeze %dma_start3A_428 : memref<1x!tpu.dma_semaphore, #tpu.memory_space<semaphore_mem>> -> memref<!tpu.dma_semaphore, #tpu.memory_space<semaphore_mem>>
    tpu.enqueue_indirect_dma source(%dma_start3A_427 : memref<1000000x64xf32, #tpu.memory_space<hbm>>) target(%arg10 : memref<128x64xf32, #tpu.memory_space<vmem>>) offsets(%dma_start3A_424 : memref<128xi32, #tpu.memory_space<vmem>>) semaphore(%dma_start3A_429 : memref<!tpu.dma_semaphore, #tpu.memory_space<semaphore_mem>>)
    %dma_wait3A_430 = arith.constant 9 : i32
    %dma_wait3A_431 = arith.constant 1 : i32
    %dma_wait3A_432 = arith.constant 0 : i32
    %dma_wait3A_433 = tpu.memref_slice %arg6[%dma_wait3A_430, %dma_wait3A_432] : memref<13x128xi32, #tpu.memory_space<vmem>> -> memref<1x128xi32, #tpu.memory_space<vmem>>
    %dma_wait3A_434 = tpu.memref_squeeze %dma_wait3A_433 : memref<1x128xi32, #tpu.memory_space<vmem>> -> memref<128xi32, #tpu.memory_space<vmem>>
    %dma_wait3A_435 = arith.constant 0 : i32
    %dma_wait3A_436 = arith.constant 0 : i32
    %dma_wait3A_437 = tpu.memref_slice %arg4[%dma_wait3A_435, %dma_wait3A_436] : memref<1000000x64xf32, #tpu.memory_space<hbm>> -> memref<1000000x64xf32, #tpu.memory_space<hbm>>
    %dma_wait3A_438 = tpu.memref_slice %arg15[%dma_wait3A_431] : memref<4x!tpu.dma_semaphore, #tpu.memory_space<semaphore_mem>> -> memref<1x!tpu.dma_semaphore, #tpu.memory_space<semaphore_mem>>
    %dma_wait3A_439 = tpu.memref_squeeze %dma_wait3A_438 : memref<1x!tpu.dma_semaphore, #tpu.memory_space<semaphore_mem>> -> memref<!tpu.dma_semaphore, #tpu.memory_space<semaphore_mem>>
    tpu.wait_indirect_dma semaphore(%dma_wait3A_439 : memref<!tpu.dma_semaphore, #tpu.memory_space<semaphore_mem>>) src(%dma_wait3A_437 : memref<1000000x64xf32, #tpu.memory_space<hbm>>) dst(%arg9 : memref<128x64xf32, #tpu.memory_space<vmem>>)
    %dma_start3A_440 = arith.constant 9 : i32
    %dma_start3A_441 = arith.constant 1 : i32
    %dma_start3A_442 = arith.constant 0 : i32
    %dma_start3A_443 = tpu.memref_slice %arg7[%dma_start3A_440, %dma_start3A_442] : memref<13x128xi32, #tpu.memory_space<vmem>> -> memref<1x128xi32, #tpu.memory_space<vmem>>
    %dma_start3A_444 = tpu.memref_squeeze %dma_start3A_443 : memref<1x128xi32, #tpu.memory_space<vmem>> -> memref<128xi32, #tpu.memory_space<vmem>>
    %dma_start3A_445 = arith.constant 0 : i32
    %dma_start3A_446 = arith.constant 0 : i32
    %dma_start3A_447 = tpu.memref_slice %arg12[%dma_start3A_445, %dma_start3A_446] : memref<640x64xf32, #tpu.memory_space<vmem_shared>> -> memref<640x64xf32, #tpu.memory_space<vmem_shared>>
    %dma_start3A_448 = tpu.memref_slice %arg16[%dma_start3A_441] : memref<4x!tpu.dma_semaphore, #tpu.memory_space<semaphore_mem>> -> memref<1x!tpu.dma_semaphore, #tpu.memory_space<semaphore_mem>>
    %dma_start3A_449 = tpu.memref_squeeze %dma_start3A_448 : memref<1x!tpu.dma_semaphore, #tpu.memory_space<semaphore_mem>> -> memref<!tpu.dma_semaphore, #tpu.memory_space<semaphore_mem>>
    tpu.enqueue_indirect_dma source(%arg9 : memref<128x64xf32, #tpu.memory_space<vmem>>) target(%dma_start3A_447 : memref<640x64xf32, #tpu.memory_space<vmem_shared>>) offsets(%dma_start3A_444 : memref<128xi32, #tpu.memory_space<vmem>>) semaphore(%dma_start3A_449 : memref<!tpu.dma_semaphore, #tpu.memory_space<semaphore_mem>>) {add = true}
    %dma_wait3A_450 = arith.constant 7 : i32
    %dma_wait3A_451 = arith.constant 3 : i32
    %dma_wait3A_452 = arith.constant 0 : i32
    %dma_wait3A_453 = tpu.memref_slice %arg7[%dma_wait3A_450, %dma_wait3A_452] : memref<13x128xi32, #tpu.memory_space<vmem>> -> memref<1x128xi32, #tpu.memory_space<vmem>>
    %dma_wait3A_454 = tpu.memref_squeeze %dma_wait3A_453 : memref<1x128xi32, #tpu.memory_space<vmem>> -> memref<128xi32, #tpu.memory_space<vmem>>
    %dma_wait3A_455 = arith.constant 0 : i32
    %dma_wait3A_456 = arith.constant 0 : i32
    %dma_wait3A_457 = tpu.memref_slice %arg12[%dma_wait3A_455, %dma_wait3A_456] : memref<640x64xf32, #tpu.memory_space<vmem_shared>> -> memref<640x64xf32, #tpu.memory_space<vmem_shared>>
    %dma_wait3A_458 = tpu.memref_slice %arg16[%dma_wait3A_451] : memref<4x!tpu.dma_semaphore, #tpu.memory_space<semaphore_mem>> -> memref<1x!tpu.dma_semaphore, #tpu.memory_space<semaphore_mem>>
    %dma_wait3A_459 = tpu.memref_squeeze %dma_wait3A_458 : memref<1x!tpu.dma_semaphore, #tpu.memory_space<semaphore_mem>> -> memref<!tpu.dma_semaphore, #tpu.memory_space<semaphore_mem>>
    tpu.wait_indirect_dma semaphore(%dma_wait3A_459 : memref<!tpu.dma_semaphore, #tpu.memory_space<semaphore_mem>>) src(%arg11 : memref<128x64xf32, #tpu.memory_space<vmem>>) dst(%dma_wait3A_457 : memref<640x64xf32, #tpu.memory_space<vmem_shared>>)
    %dma_start3A_460 = arith.constant 11 : i32
    %dma_start3A_461 = arith.constant 3 : i32
    %dma_start3A_462 = arith.constant 0 : i32
    %dma_start3A_463 = tpu.memref_slice %arg6[%dma_start3A_460, %dma_start3A_462] : memref<13x128xi32, #tpu.memory_space<vmem>> -> memref<1x128xi32, #tpu.memory_space<vmem>>
    %dma_start3A_464 = tpu.memref_squeeze %dma_start3A_463 : memref<1x128xi32, #tpu.memory_space<vmem>> -> memref<128xi32, #tpu.memory_space<vmem>>
    %dma_start3A_465 = arith.constant 0 : i32
    %dma_start3A_466 = arith.constant 0 : i32
    %dma_start3A_467 = tpu.memref_slice %arg4[%dma_start3A_465, %dma_start3A_466] : memref<1000000x64xf32, #tpu.memory_space<hbm>> -> memref<1000000x64xf32, #tpu.memory_space<hbm>>
    %dma_start3A_468 = tpu.memref_slice %arg15[%dma_start3A_461] : memref<4x!tpu.dma_semaphore, #tpu.memory_space<semaphore_mem>> -> memref<1x!tpu.dma_semaphore, #tpu.memory_space<semaphore_mem>>
    %dma_start3A_469 = tpu.memref_squeeze %dma_start3A_468 : memref<1x!tpu.dma_semaphore, #tpu.memory_space<semaphore_mem>> -> memref<!tpu.dma_semaphore, #tpu.memory_space<semaphore_mem>>
    tpu.enqueue_indirect_dma source(%dma_start3A_467 : memref<1000000x64xf32, #tpu.memory_space<hbm>>) target(%arg11 : memref<128x64xf32, #tpu.memory_space<vmem>>) offsets(%dma_start3A_464 : memref<128xi32, #tpu.memory_space<vmem>>) semaphore(%dma_start3A_469 : memref<!tpu.dma_semaphore, #tpu.memory_space<semaphore_mem>>)
    %dma_wait3A_470 = arith.constant 10 : i32
    %dma_wait3A_471 = arith.constant 2 : i32
    %dma_wait3A_472 = arith.constant 0 : i32
    %dma_wait3A_473 = tpu.memref_slice %arg6[%dma_wait3A_470, %dma_wait3A_472] : memref<13x128xi32, #tpu.memory_space<vmem>> -> memref<1x128xi32, #tpu.memory_space<vmem>>
    %dma_wait3A_474 = tpu.memref_squeeze %dma_wait3A_473 : memref<1x128xi32, #tpu.memory_space<vmem>> -> memref<128xi32, #tpu.memory_space<vmem>>
    %dma_wait3A_475 = arith.constant 0 : i32
    %dma_wait3A_476 = arith.constant 0 : i32
    %dma_wait3A_477 = tpu.memref_slice %arg4[%dma_wait3A_475, %dma_wait3A_476] : memref<1000000x64xf32, #tpu.memory_space<hbm>> -> memref<1000000x64xf32, #tpu.memory_space<hbm>>
    %dma_wait3A_478 = tpu.memref_slice %arg15[%dma_wait3A_471] : memref<4x!tpu.dma_semaphore, #tpu.memory_space<semaphore_mem>> -> memref<1x!tpu.dma_semaphore, #tpu.memory_space<semaphore_mem>>
    %dma_wait3A_479 = tpu.memref_squeeze %dma_wait3A_478 : memref<1x!tpu.dma_semaphore, #tpu.memory_space<semaphore_mem>> -> memref<!tpu.dma_semaphore, #tpu.memory_space<semaphore_mem>>
    tpu.wait_indirect_dma semaphore(%dma_wait3A_479 : memref<!tpu.dma_semaphore, #tpu.memory_space<semaphore_mem>>) src(%dma_wait3A_477 : memref<1000000x64xf32, #tpu.memory_space<hbm>>) dst(%arg10 : memref<128x64xf32, #tpu.memory_space<vmem>>)
    %dma_start3A_480 = arith.constant 10 : i32
    %dma_start3A_481 = arith.constant 2 : i32
    %dma_start3A_482 = arith.constant 0 : i32
    %dma_start3A_483 = tpu.memref_slice %arg7[%dma_start3A_480, %dma_start3A_482] : memref<13x128xi32, #tpu.memory_space<vmem>> -> memref<1x128xi32, #tpu.memory_space<vmem>>
    %dma_start3A_484 = tpu.memref_squeeze %dma_start3A_483 : memref<1x128xi32, #tpu.memory_space<vmem>> -> memref<128xi32, #tpu.memory_space<vmem>>
    %dma_start3A_485 = arith.constant 0 : i32
    %dma_start3A_486 = arith.constant 0 : i32
    %dma_start3A_487 = tpu.memref_slice %arg12[%dma_start3A_485, %dma_start3A_486] : memref<640x64xf32, #tpu.memory_space<vmem_shared>> -> memref<640x64xf32, #tpu.memory_space<vmem_shared>>
    %dma_start3A_488 = tpu.memref_slice %arg16[%dma_start3A_481] : memref<4x!tpu.dma_semaphore, #tpu.memory_space<semaphore_mem>> -> memref<1x!tpu.dma_semaphore, #tpu.memory_space<semaphore_mem>>
    %dma_start3A_489 = tpu.memref_squeeze %dma_start3A_488 : memref<1x!tpu.dma_semaphore, #tpu.memory_space<semaphore_mem>> -> memref<!tpu.dma_semaphore, #tpu.memory_space<semaphore_mem>>
    tpu.enqueue_indirect_dma source(%arg10 : memref<128x64xf32, #tpu.memory_space<vmem>>) target(%dma_start3A_487 : memref<640x64xf32, #tpu.memory_space<vmem_shared>>) offsets(%dma_start3A_484 : memref<128xi32, #tpu.memory_space<vmem>>) semaphore(%dma_start3A_489 : memref<!tpu.dma_semaphore, #tpu.memory_space<semaphore_mem>>) {add = true}
    %dma_wait3A_490 = arith.constant 8 : i32
    %dma_wait3A_491 = arith.constant 0 : i32
    %dma_wait3A_492 = arith.constant 0 : i32
    %dma_wait3A_493 = tpu.memref_slice %arg7[%dma_wait3A_490, %dma_wait3A_492] : memref<13x128xi32, #tpu.memory_space<vmem>> -> memref<1x128xi32, #tpu.memory_space<vmem>>
    %dma_wait3A_494 = tpu.memref_squeeze %dma_wait3A_493 : memref<1x128xi32, #tpu.memory_space<vmem>> -> memref<128xi32, #tpu.memory_space<vmem>>
    %dma_wait3A_495 = arith.constant 0 : i32
    %dma_wait3A_496 = arith.constant 0 : i32
    %dma_wait3A_497 = tpu.memref_slice %arg12[%dma_wait3A_495, %dma_wait3A_496] : memref<640x64xf32, #tpu.memory_space<vmem_shared>> -> memref<640x64xf32, #tpu.memory_space<vmem_shared>>
    %dma_wait3A_498 = tpu.memref_slice %arg16[%dma_wait3A_491] : memref<4x!tpu.dma_semaphore, #tpu.memory_space<semaphore_mem>> -> memref<1x!tpu.dma_semaphore, #tpu.memory_space<semaphore_mem>>
    %dma_wait3A_499 = tpu.memref_squeeze %dma_wait3A_498 : memref<1x!tpu.dma_semaphore, #tpu.memory_space<semaphore_mem>> -> memref<!tpu.dma_semaphore, #tpu.memory_space<semaphore_mem>>
    tpu.wait_indirect_dma semaphore(%dma_wait3A_499 : memref<!tpu.dma_semaphore, #tpu.memory_space<semaphore_mem>>) src(%arg8 : memref<128x64xf32, #tpu.memory_space<vmem>>) dst(%dma_wait3A_497 : memref<640x64xf32, #tpu.memory_space<vmem_shared>>)
    %dma_start3A_500 = arith.constant 12 : i32
    %dma_start3A_501 = arith.constant 0 : i32
    %dma_start3A_502 = arith.constant 0 : i32
    %dma_start3A_503 = tpu.memref_slice %arg6[%dma_start3A_500, %dma_start3A_502] : memref<13x128xi32, #tpu.memory_space<vmem>> -> memref<1x128xi32, #tpu.memory_space<vmem>>
    %dma_start3A_504 = tpu.memref_squeeze %dma_start3A_503 : memref<1x128xi32, #tpu.memory_space<vmem>> -> memref<128xi32, #tpu.memory_space<vmem>>
    %dma_start3A_505 = arith.constant 0 : i32
    %dma_start3A_506 = arith.constant 0 : i32
    %dma_start3A_507 = tpu.memref_slice %arg4[%dma_start3A_505, %dma_start3A_506] : memref<1000000x64xf32, #tpu.memory_space<hbm>> -> memref<1000000x64xf32, #tpu.memory_space<hbm>>
    %dma_start3A_508 = tpu.memref_slice %arg15[%dma_start3A_501] : memref<4x!tpu.dma_semaphore, #tpu.memory_space<semaphore_mem>> -> memref<1x!tpu.dma_semaphore, #tpu.memory_space<semaphore_mem>>
    %dma_start3A_509 = tpu.memref_squeeze %dma_start3A_508 : memref<1x!tpu.dma_semaphore, #tpu.memory_space<semaphore_mem>> -> memref<!tpu.dma_semaphore, #tpu.memory_space<semaphore_mem>>
    tpu.enqueue_indirect_dma source(%dma_start3A_507 : memref<1000000x64xf32, #tpu.memory_space<hbm>>) target(%arg8 : memref<128x64xf32, #tpu.memory_space<vmem>>) offsets(%dma_start3A_504 : memref<128xi32, #tpu.memory_space<vmem>>) semaphore(%dma_start3A_509 : memref<!tpu.dma_semaphore, #tpu.memory_space<semaphore_mem>>)
    %dma_wait3A_510 = arith.constant 11 : i32
    %dma_wait3A_511 = arith.constant 3 : i32
    %dma_wait3A_512 = arith.constant 0 : i32
    %dma_wait3A_513 = tpu.memref_slice %arg6[%dma_wait3A_510, %dma_wait3A_512] : memref<13x128xi32, #tpu.memory_space<vmem>> -> memref<1x128xi32, #tpu.memory_space<vmem>>
    %dma_wait3A_514 = tpu.memref_squeeze %dma_wait3A_513 : memref<1x128xi32, #tpu.memory_space<vmem>> -> memref<128xi32, #tpu.memory_space<vmem>>
    %dma_wait3A_515 = arith.constant 0 : i32
    %dma_wait3A_516 = arith.constant 0 : i32
    %dma_wait3A_517 = tpu.memref_slice %arg4[%dma_wait3A_515, %dma_wait3A_516] : memref<1000000x64xf32, #tpu.memory_space<hbm>> -> memref<1000000x64xf32, #tpu.memory_space<hbm>>
    %dma_wait3A_518 = tpu.memref_slice %arg15[%dma_wait3A_511] : memref<4x!tpu.dma_semaphore, #tpu.memory_space<semaphore_mem>> -> memref<1x!tpu.dma_semaphore, #tpu.memory_space<semaphore_mem>>
    %dma_wait3A_519 = tpu.memref_squeeze %dma_wait3A_518 : memref<1x!tpu.dma_semaphore, #tpu.memory_space<semaphore_mem>> -> memref<!tpu.dma_semaphore, #tpu.memory_space<semaphore_mem>>
    tpu.wait_indirect_dma semaphore(%dma_wait3A_519 : memref<!tpu.dma_semaphore, #tpu.memory_space<semaphore_mem>>) src(%dma_wait3A_517 : memref<1000000x64xf32, #tpu.memory_space<hbm>>) dst(%arg11 : memref<128x64xf32, #tpu.memory_space<vmem>>)
    %dma_start3A_520 = arith.constant 11 : i32
    %dma_start3A_521 = arith.constant 3 : i32
    %dma_start3A_522 = arith.constant 0 : i32
    %dma_start3A_523 = tpu.memref_slice %arg7[%dma_start3A_520, %dma_start3A_522] : memref<13x128xi32, #tpu.memory_space<vmem>> -> memref<1x128xi32, #tpu.memory_space<vmem>>
    %dma_start3A_524 = tpu.memref_squeeze %dma_start3A_523 : memref<1x128xi32, #tpu.memory_space<vmem>> -> memref<128xi32, #tpu.memory_space<vmem>>
    %dma_start3A_525 = arith.constant 0 : i32
    %dma_start3A_526 = arith.constant 0 : i32
    %dma_start3A_527 = tpu.memref_slice %arg12[%dma_start3A_525, %dma_start3A_526] : memref<640x64xf32, #tpu.memory_space<vmem_shared>> -> memref<640x64xf32, #tpu.memory_space<vmem_shared>>
    %dma_start3A_528 = tpu.memref_slice %arg16[%dma_start3A_521] : memref<4x!tpu.dma_semaphore, #tpu.memory_space<semaphore_mem>> -> memref<1x!tpu.dma_semaphore, #tpu.memory_space<semaphore_mem>>
    %dma_start3A_529 = tpu.memref_squeeze %dma_start3A_528 : memref<1x!tpu.dma_semaphore, #tpu.memory_space<semaphore_mem>> -> memref<!tpu.dma_semaphore, #tpu.memory_space<semaphore_mem>>
    tpu.enqueue_indirect_dma source(%arg11 : memref<128x64xf32, #tpu.memory_space<vmem>>) target(%dma_start3A_527 : memref<640x64xf32, #tpu.memory_space<vmem_shared>>) offsets(%dma_start3A_524 : memref<128xi32, #tpu.memory_space<vmem>>) semaphore(%dma_start3A_529 : memref<!tpu.dma_semaphore, #tpu.memory_space<semaphore_mem>>) {add = true}
    %dma_wait3A_530 = arith.constant 12 : i32
    %dma_wait3A_531 = arith.constant 0 : i32
    %dma_wait3A_532 = arith.constant 0 : i32
    %dma_wait3A_533 = tpu.memref_slice %arg6[%dma_wait3A_530, %dma_wait3A_532] : memref<13x128xi32, #tpu.memory_space<vmem>> -> memref<1x128xi32, #tpu.memory_space<vmem>>
    %dma_wait3A_534 = tpu.memref_squeeze %dma_wait3A_533 : memref<1x128xi32, #tpu.memory_space<vmem>> -> memref<128xi32, #tpu.memory_space<vmem>>
    %dma_wait3A_535 = arith.constant 0 : i32
    %dma_wait3A_536 = arith.constant 0 : i32
    %dma_wait3A_537 = tpu.memref_slice %arg4[%dma_wait3A_535, %dma_wait3A_536] : memref<1000000x64xf32, #tpu.memory_space<hbm>> -> memref<1000000x64xf32, #tpu.memory_space<hbm>>
    %dma_wait3A_538 = tpu.memref_slice %arg15[%dma_wait3A_531] : memref<4x!tpu.dma_semaphore, #tpu.memory_space<semaphore_mem>> -> memref<1x!tpu.dma_semaphore, #tpu.memory_space<semaphore_mem>>
    %dma_wait3A_539 = tpu.memref_squeeze %dma_wait3A_538 : memref<1x!tpu.dma_semaphore, #tpu.memory_space<semaphore_mem>> -> memref<!tpu.dma_semaphore, #tpu.memory_space<semaphore_mem>>
    tpu.wait_indirect_dma semaphore(%dma_wait3A_539 : memref<!tpu.dma_semaphore, #tpu.memory_space<semaphore_mem>>) src(%dma_wait3A_537 : memref<1000000x64xf32, #tpu.memory_space<hbm>>) dst(%arg8 : memref<128x64xf32, #tpu.memory_space<vmem>>)
    %dma_start3A_540 = arith.constant 12 : i32
    %dma_start3A_541 = arith.constant 0 : i32
    %dma_start3A_542 = arith.constant 0 : i32
    %dma_start3A_543 = tpu.memref_slice %arg7[%dma_start3A_540, %dma_start3A_542] : memref<13x128xi32, #tpu.memory_space<vmem>> -> memref<1x128xi32, #tpu.memory_space<vmem>>
    %dma_start3A_544 = tpu.memref_squeeze %dma_start3A_543 : memref<1x128xi32, #tpu.memory_space<vmem>> -> memref<128xi32, #tpu.memory_space<vmem>>
    %dma_start3A_545 = arith.constant 0 : i32
    %dma_start3A_546 = arith.constant 0 : i32
    %dma_start3A_547 = tpu.memref_slice %arg12[%dma_start3A_545, %dma_start3A_546] : memref<640x64xf32, #tpu.memory_space<vmem_shared>> -> memref<640x64xf32, #tpu.memory_space<vmem_shared>>
    %dma_start3A_548 = tpu.memref_slice %arg16[%dma_start3A_541] : memref<4x!tpu.dma_semaphore, #tpu.memory_space<semaphore_mem>> -> memref<1x!tpu.dma_semaphore, #tpu.memory_space<semaphore_mem>>
    %dma_start3A_549 = tpu.memref_squeeze %dma_start3A_548 : memref<1x!tpu.dma_semaphore, #tpu.memory_space<semaphore_mem>> -> memref<!tpu.dma_semaphore, #tpu.memory_space<semaphore_mem>>
    tpu.enqueue_indirect_dma source(%arg8 : memref<128x64xf32, #tpu.memory_space<vmem>>) target(%dma_start3A_547 : memref<640x64xf32, #tpu.memory_space<vmem_shared>>) offsets(%dma_start3A_544 : memref<128xi32, #tpu.memory_space<vmem>>) semaphore(%dma_start3A_549 : memref<!tpu.dma_semaphore, #tpu.memory_space<semaphore_mem>>) {add = true}
    %dma_wait3A_550 = arith.constant 10 : i32
    %dma_wait3A_551 = arith.constant 2 : i32
    %dma_wait3A_552 = arith.constant 0 : i32
    %dma_wait3A_553 = tpu.memref_slice %arg7[%dma_wait3A_550, %dma_wait3A_552] : memref<13x128xi32, #tpu.memory_space<vmem>> -> memref<1x128xi32, #tpu.memory_space<vmem>>
    %dma_wait3A_554 = tpu.memref_squeeze %dma_wait3A_553 : memref<1x128xi32, #tpu.memory_space<vmem>> -> memref<128xi32, #tpu.memory_space<vmem>>
    %dma_wait3A_555 = arith.constant 0 : i32
    %dma_wait3A_556 = arith.constant 0 : i32
    %dma_wait3A_557 = tpu.memref_slice %arg12[%dma_wait3A_555, %dma_wait3A_556] : memref<640x64xf32, #tpu.memory_space<vmem_shared>> -> memref<640x64xf32, #tpu.memory_space<vmem_shared>>
    %dma_wait3A_558 = tpu.memref_slice %arg16[%dma_wait3A_551] : memref<4x!tpu.dma_semaphore, #tpu.memory_space<semaphore_mem>> -> memref<1x!tpu.dma_semaphore, #tpu.memory_space<semaphore_mem>>
    %dma_wait3A_559 = tpu.memref_squeeze %dma_wait3A_558 : memref<1x!tpu.dma_semaphore, #tpu.memory_space<semaphore_mem>> -> memref<!tpu.dma_semaphore, #tpu.memory_space<semaphore_mem>>
    tpu.wait_indirect_dma semaphore(%dma_wait3A_559 : memref<!tpu.dma_semaphore, #tpu.memory_space<semaphore_mem>>) src(%arg10 : memref<128x64xf32, #tpu.memory_space<vmem>>) dst(%dma_wait3A_557 : memref<640x64xf32, #tpu.memory_space<vmem_shared>>)
    %dma_wait3A_560 = arith.constant 11 : i32
    %dma_wait3A_561 = arith.constant 3 : i32
    %dma_wait3A_562 = arith.constant 0 : i32
    %dma_wait3A_563 = tpu.memref_slice %arg7[%dma_wait3A_560, %dma_wait3A_562] : memref<13x128xi32, #tpu.memory_space<vmem>> -> memref<1x128xi32, #tpu.memory_space<vmem>>
    %dma_wait3A_564 = tpu.memref_squeeze %dma_wait3A_563 : memref<1x128xi32, #tpu.memory_space<vmem>> -> memref<128xi32, #tpu.memory_space<vmem>>
    %dma_wait3A_565 = arith.constant 0 : i32
    %dma_wait3A_566 = arith.constant 0 : i32
    %dma_wait3A_567 = tpu.memref_slice %arg12[%dma_wait3A_565, %dma_wait3A_566] : memref<640x64xf32, #tpu.memory_space<vmem_shared>> -> memref<640x64xf32, #tpu.memory_space<vmem_shared>>
    %dma_wait3A_568 = tpu.memref_slice %arg16[%dma_wait3A_561] : memref<4x!tpu.dma_semaphore, #tpu.memory_space<semaphore_mem>> -> memref<1x!tpu.dma_semaphore, #tpu.memory_space<semaphore_mem>>
    %dma_wait3A_569 = tpu.memref_squeeze %dma_wait3A_568 : memref<1x!tpu.dma_semaphore, #tpu.memory_space<semaphore_mem>> -> memref<!tpu.dma_semaphore, #tpu.memory_space<semaphore_mem>>
    tpu.wait_indirect_dma semaphore(%dma_wait3A_569 : memref<!tpu.dma_semaphore, #tpu.memory_space<semaphore_mem>>) src(%arg11 : memref<128x64xf32, #tpu.memory_space<vmem>>) dst(%dma_wait3A_567 : memref<640x64xf32, #tpu.memory_space<vmem_shared>>)
    %dma_wait3A_570 = arith.constant 12 : i32
    %dma_wait3A_571 = arith.constant 0 : i32
    %dma_wait3A_572 = arith.constant 0 : i32
    %dma_wait3A_573 = tpu.memref_slice %arg7[%dma_wait3A_570, %dma_wait3A_572] : memref<13x128xi32, #tpu.memory_space<vmem>> -> memref<1x128xi32, #tpu.memory_space<vmem>>
    %dma_wait3A_574 = tpu.memref_squeeze %dma_wait3A_573 : memref<1x128xi32, #tpu.memory_space<vmem>> -> memref<128xi32, #tpu.memory_space<vmem>>
    %dma_wait3A_575 = arith.constant 0 : i32
    %dma_wait3A_576 = arith.constant 0 : i32
    %dma_wait3A_577 = tpu.memref_slice %arg12[%dma_wait3A_575, %dma_wait3A_576] : memref<640x64xf32, #tpu.memory_space<vmem_shared>> -> memref<640x64xf32, #tpu.memory_space<vmem_shared>>
    %dma_wait3A_578 = tpu.memref_slice %arg16[%dma_wait3A_571] : memref<4x!tpu.dma_semaphore, #tpu.memory_space<semaphore_mem>> -> memref<1x!tpu.dma_semaphore, #tpu.memory_space<semaphore_mem>>
    %dma_wait3A_579 = tpu.memref_squeeze %dma_wait3A_578 : memref<1x!tpu.dma_semaphore, #tpu.memory_space<semaphore_mem>> -> memref<!tpu.dma_semaphore, #tpu.memory_space<semaphore_mem>>
    tpu.wait_indirect_dma semaphore(%dma_wait3A_579 : memref<!tpu.dma_semaphore, #tpu.memory_space<semaphore_mem>>) src(%arg8 : memref<128x64xf32, #tpu.memory_space<vmem>>) dst(%dma_wait3A_577 : memref<640x64xf32, #tpu.memory_space<vmem_shared>>)
    "tpu.region"() ({
      %run_scoped3A = tpu.sem_alloc : memref<!tpu.dma_semaphore, #tpu.memory_space<semaphore_mem>>
      %dma_start3A_580 = arith.constant 0 : i32
      %dma_start3A_581 = arith.constant 0 : i32
      %dma_start3A_582 = tpu.memref_slice %arg5[%add3A, %dma_start3A_580, %dma_start3A_581] : memref<32x32x64xf32, #tpu.memory_space<hbm>> -> memref<1x32x64xf32, #tpu.memory_space<hbm>>
      %dma_start3A_583 = tpu.memref_squeeze %dma_start3A_582 : memref<1x32x64xf32, #tpu.memory_space<hbm>> -> memref<32x64xf32, #tpu.memory_space<hbm>>
      %dma_start3A_584 = arith.constant 0 : i32
      %dma_start3A_585 = tpu.memref_slice %arg12[%mul3A_35, %dma_start3A_584] : memref<640x64xf32, #tpu.memory_space<vmem_shared>> -> memref<32x64xf32, #tpu.memory_space<vmem_shared>>
      tpu.enqueue_dma source(%dma_start3A_585 : memref<32x64xf32, #tpu.memory_space<vmem_shared>>) target(%dma_start3A_583 : memref<32x64xf32, #tpu.memory_space<hbm>>) target_semaphore(%run_scoped3A : memref<!tpu.dma_semaphore, #tpu.memory_space<semaphore_mem>>)
      %dma_wait3A_586 = arith.constant 0 : i32
      %dma_wait3A_587 = arith.constant 0 : i32
      %dma_wait3A_588 = tpu.memref_slice %arg5[%add3A, %dma_wait3A_586, %dma_wait3A_587] : memref<32x32x64xf32, #tpu.memory_space<hbm>> -> memref<1x32x64xf32, #tpu.memory_space<hbm>>
      %dma_wait3A_589 = tpu.memref_squeeze %dma_wait3A_588 : memref<1x32x64xf32, #tpu.memory_space<hbm>> -> memref<32x64xf32, #tpu.memory_space<hbm>>
      %dma_wait3A_590 = arith.constant 0 : i32
      %dma_wait3A_591 = tpu.memref_slice %arg12[%mul3A_35, %dma_wait3A_590] : memref<640x64xf32, #tpu.memory_space<vmem_shared>> -> memref<32x64xf32, #tpu.memory_space<vmem_shared>>
      tpu.wait_dma2 semaphore(%run_scoped3A : memref<!tpu.dma_semaphore, #tpu.memory_space<semaphore_mem>>) src(%dma_wait3A_591 : memref<32x64xf32, #tpu.memory_space<vmem_shared>>) dst(%dma_wait3A_589 : memref<32x64xf32, #tpu.memory_space<hbm>>)
      tpu.yield
    }) : () -> ()
    return
  }
}

module attributes {stable_mosaic.version = 14 : i64} {
  func.func @_linear_body(%arg0: memref<32x32x64xf32, #tpu.memory_space<vmem>>, %arg1: memref<64x64xf32, #tpu.memory_space<vmem>>, %arg2: memref<1x64xf32, #tpu.memory_space<vmem>>, %arg3: memref<1024x64xf32, #tpu.memory_space<vmem>>) attributes {dimension_semantics = [], scalar_prefetch = 0 : i64, scratch_operands = 0 : i64, tpu.core_type = #tpu.core_type<tc>} {
    %get3A = arith.constant 0 : index
    %get3A_0 = arith.constant 0 : index
    %get3A_1 = arith.constant 0 : index
    %get3A_2 = vector.load %arg0[%get3A, %get3A_0, %get3A_1] : memref<32x32x64xf32, #tpu.memory_space<vmem>>, vector<32x32x64xf32>
    %reshape3A = vector.shape_cast %get3A_2 : vector<32x32x64xf32> to vector<1024x64xf32>
    %get3A_3 = arith.constant 0 : index
    %get3A_4 = arith.constant 0 : index
    %get3A_5 = vector.load %arg1[%get3A_3, %get3A_4] : memref<64x64xf32, #tpu.memory_space<vmem>>, vector<64x64xf32>
    %dot_general3A = arith.constant dense<0.000000e+00> : vector<1024x64xf32>
    %dot_general3A_6 = tpu.matmul %reshape3A, %get3A_5, %dot_general3A {dimension_numbers = #tpu.dot_dimension_numbers<[1], [0], [0], [1], [0, 0, 1, 1], [], []>, transpose_lhs_hint = false} : vector<1024x64xf32>, vector<64x64xf32>, vector<1024x64xf32> -> vector<1024x64xf32>
    %get3A_7 = arith.constant 0 : index
    %get3A_8 = arith.constant 0 : index
    %get3A_9 = vector.load %arg2[%get3A_7, %get3A_8] : memref<1x64xf32, #tpu.memory_space<vmem>>, vector<1x64xf32>
    %add3A = vector.broadcast %get3A_9 : vector<1x64xf32> to vector<1024x64xf32>
    %add3A_10 = arith.addf %dot_general3A_6, %add3A : vector<1024x64xf32>
    %swap3A = arith.constant 0 : index
    %swap3A_11 = arith.constant 0 : index
    %swap3A_12 = vector.load %arg3[%swap3A, %swap3A_11] : memref<1024x64xf32, #tpu.memory_space<vmem>>, vector<1024x64xf32>
    tpu.vector_store %arg3[%swap3A, %swap3A_11], %add3A_10 {strides = array<i32>} : memref<1024x64xf32, #tpu.memory_space<vmem>>, vector<1024x64xf32>,
    return
  }
}

</mosaic_0001>

<sc_bundles>
// kernel: kernel.4.cloned.1.call-start
scs
__scs_entry_jumppad:
0x0: {  	(pc) =	sbr.rel $0x88, $3  }
0x1: {  	(tag) =	ssettag $0x0;
	lr =	simm.s32 $0x1  }
0x2: {  	[smem:$0x3F9D] =	sst lr;
	_ =	strace $0xD0000000  }
0x3: {  	_ = 	snop  }
0x4: {  	_ = 	snop  }
0x5: {  	_ = 	snop  }
0x6: {  	_ = 	snop  }
0x7: {  	_ = 	snop  }
__scs_overlays_trampoline_lowered:
0x8: {  	[smem:$0x3FAC] =	sst s0  }
0x9: {  	[smem:$0x3FAD] =	sst s1  }
0xa: {  	[smem:$0x3FAE] =	sst s2  }
0xb: {  	[smem:$0x3FAF] =	sst s3  }
0xc: {  	[smem:$0x3FB0] =	sst s4  }
0xd: {  	[smem:$0x3FB1] =	sst s5  }
0xe: {  	[smem:$0x3FB2] =	sst s6  }
0xf: {  	[smem:$0x3FB3] =	sst s7  }
0x10: {  	[smem:$0x3FB4] =	sst s8  }
0x11: {  	[smem:$0x3FB5] =	sst s9;
	s0 =	simm.s32 @!p0 $0x0  }
0x12: {  	s1 =	sld [smem:$0x3F9B];
	s0 =	simm.s32 @p0 $0x1  }
0x13: {  	[smem:$0x3FB6] =	sst s0;
	s0 =	simm.s32 @!p1 $0x0  }
0x14: {  	s2 =	sld [smem:$0x3F9A];
	s0 =	simm.s32 @p1 $0x1  }
0x15: {  	[smem:$0x3FB7] =	sst s0;
	s0 =	simm.s32 @!p2 $0x0  }
0x16: {  	s3 =	sld [smem:$0x3FDB];
	s0 =	simm.s32 @p2 $0x1  }
0x17: {  	s4 =	simm.s32 $0x1BF5;
	[smem:$0x3FB9] =	sst s0  }
0x18: {  	s0 =	sld [smem:$0x3F9C];
	_ =	swait.ge [sflag:s4], $0x0  }
0x19: {  	s7 =	sld [smem:$0x3F9D]  }
0x1a: {  	s8 =	sadd.s32 $0xFFFFE003, lr  }
0x1b: {  	s9 =	sadd.s32 $0xFFFFFEF7, lr;
	s5 =	simm.s32 $0xFFFFFFFF;
	p2 =	slt.u32 s8, $0xFFFFF086  }
0x1c: {  	p1 =	slt.u32 s9, $0xF7A;
	s5 =	simm.s32 @!p2 $0x0  }
0x1d: {  	s5 =	simm.s32 @p1 $0x1;
	p0 =	seq.s32 s7, s2  }
0x1e: {  	s7 =	smul.u32 @!p0 $0xF7A, s2;
	p2 =	seq.s32 @!p0 s5, $0x0  }
0x1f: {  	s9 =	smul.u32 $0xF7A, s1;
	s8 =	simm.s32 @!p0 $0x1BF5;
	p2 =	por !p2, p0  }
0x20: {  	[sflag:s8] =	ssyncset.s32 @!p0 $0xFFFFF086;
	s6 =	sadd.s32 @!p0 s3, s7;
	s7 =	simm.s32 @!p0 $0x108  }
0x21: {  	s3 =	sadd.s32 s3, s9;
	s6 =	sadd.s32 @!p0 $0x88, s6;
	s7 =	simm.s32 @p2 $0x1082  }
0x22: {  	[simem:s7], [sflag:s8] =	dma.local @!p0 [hbm:s6], $0xF7A  }
0x23: {  	s9 =	sor.u32 $0xD0000000, s2;
	s6 =	simm.s32 $0x108;
	_ =	swait.ge @!p0 [sflag:s8], $0x0  }
0x24: {  	s3 =	sadd.s32 $0x88, s3;
	s6 =	simm.s32 @!p1 $0x1082;
	[sflag:s4] =	ssyncset.s32 $0xFFFFF086  }
0x25: {  	[simem:s6], [sflag:s4] =	dma.local [hbm:s3], $0xF7A  }
0x26: {  	[smem:$0x3F9D] =	sst s1;
	(tag) =	ssettag s2;
	_ =	strace s9  }
0x27: {  	s1 =	sld [smem:$0x3FAD]  }
0x28: {  	s2 =	sld [smem:$0x3FAE]  }
0x29: {  	s4 =	sld [smem:$0x3FB0]  }
0x2a: {  	p0 =	seq.s32 s5, $0x0;
	s5 =	sld [smem:$0x3FB1]  }
0x2b: {  	s6 =	sld [smem:$0x3FB2]  }
0x2c: {  	s7 =	sld [smem:$0x3FB3]  }
0x2d: {  	s3 =	simm.s32 $0x108;
	s8 =	sld [smem:$0x3FB4]  }
0x2e: {  	s3 =	simm.s32 @!p0 $0x1082;
	s9 =	sld [smem:$0x3FB5]  }
0x2f: {  	lr =	sadd.s32 s0, s3;
	s0 =	sld [smem:$0x3FAC]  }
0x30: {  	s3 =	sld [smem:$0x3FAF]  }
0x31: {  	[smem:$0x3FB8] =	sst s10  }
0x32: {  	s10 =	sld [smem:$0x3FB6];
	_ =	sdelay $0x3  }
0x33: {  	p0 =	seq.s32 s10, $0x1;
	s10 =	sld [smem:$0x3FB8];
	_ =	sdelay $0x3  }
0x34: {  	[smem:$0x3FB8] =	sst s10  }
0x35: {  	s10 =	sld [smem:$0x3FB7];
	_ =	sdelay $0x3  }
0x36: {  	p1 =	seq.s32 s10, $0x1;
	s10 =	sld [smem:$0x3FB8];
	_ =	sdelay $0x3  }
0x37: {  	[smem:$0x3FB8] =	sst s10  }
0x38: {  	s10 =	sld [smem:$0x3FB9]  }
0x39: {  	_ = 	snop;
	(pc) =	sbr.ind lr, $3  }
0x3a: {  	_ = 	snop  }
0x3b: {  	_ = 	snop  }
0x3c: {  	p2 =	seq.s32 s10, $0x1;
	s10 =	sld [smem:$0x3FB8]  }
0x3d: {  	_ =	shalt  }
0x3e: {  	_ =	shalt  }
0x3f: {  	_ =	shalt  }
0x40: {  	_ =	shalt  }
0x41: {  	_ =	shalt  }
0x42: {  	_ =	shalt  }
0x43: {  	_ =	shalt  }
0x44: {  	_ =	shalt  }
0x45: {  	_ =	shalt  }
0x46: {  	_ =	shalt  }
0x47: {  	_ =	shalt  }
0x48: {  	_ =	shalt  }
0x49: {  	_ =	shalt  }
0x4a: {  	_ =	shalt  }
0x4b: {  	_ =	shalt  }
0x4c: {  	_ =	shalt  }
0x4d: {  	_ =	shalt  }
0x4e: {  	_ =	shalt  }
0x4f: {  	_ =	shalt  }
0x50: {  	_ =	shalt  }
0x51: {  	_ =	shalt  }
0x52: {  	_ =	shalt  }
0x53: {  	_ =	shalt  }
0x54: {  	_ =	shalt  }
0x55: {  	_ =	shalt  }
0x56: {  	_ =	shalt  }
0x57: {  	_ =	shalt  }
0x58: {  	_ =	shalt  }
0x59: {  	_ =	shalt  }
0x5a: {  	_ =	shalt  }
0x5b: {  	_ =	shalt  }
0x5c: {  	_ =	shalt  }
0x5d: {  	_ =	shalt  }
0x5e: {  	_ =	shalt  }
0x5f: {  	_ =	shalt  }
0x60: {  	_ =	shalt  }
0x61: {  	_ =	shalt  }
0x62: {  	_ =	shalt  }
0x63: {  	_ =	shalt  }
0x64: {  	_ =	shalt  }
0x65: {  	_ =	shalt  }
0x66: {  	_ =	shalt  }
0x67: {  	_ =	shalt  }
0x68: {  	_ =	shalt  }
0x69: {  	_ =	shalt  }
0x6a: {  	_ =	shalt  }
0x6b: {  	_ =	shalt  }
0x6c: {  	_ =	shalt  }
0x6d: {  	_ =	shalt  }
0x6e: {  	_ =	shalt  }
0x6f: {  	_ =	shalt  }
0x70: {  	_ =	shalt  }
0x71: {  	_ =	shalt  }
0x72: {  	_ =	shalt  }
0x73: {  	_ =	shalt  }
0x74: {  	_ =	shalt  }
0x75: {  	_ =	shalt  }
0x76: {  	_ =	shalt  }
0x77: {  	_ =	shalt  }
0x78: {  	_ =	shalt  }
0x79: {  	_ =	shalt  }
0x7a: {  	_ =	shalt  }
0x7b: {  	_ =	shalt  }
0x7c: {  	_ =	shalt  }
0x7d: {  	_ =	shalt  }
0x7e: {  	_ =	shalt  }
0x7f: {  	_ =	shalt  }
0x80: {  	_ =	shalt  }
0x81: {  	_ =	shalt  }
0x82: {  	_ =	shalt  }
0x83: {  	_ =	shalt  }
0x84: {  	_ =	shalt  }
0x85: {  	_ =	shalt  }
0x86: {  	_ =	shalt  }
0x87: {  	_ =	shalt  }
.Lfunc_end0:
.L_simem_size_0:
called_computation_lowered:
.L_overlay_start_0:
0x88: {  	s2 =	sld [smem:$0x3FD9]  }
0x89: {  	s3 =	sld [smem:$0x3FFE];
	_ =	sdelay $0x1  }
0x8a: {  	s1 =	srdreg.scid  }
0x8b: {  	s0 =	sand.u32 $0x1, s1  }
0x8c: {  	s17 =	sshll.u32 s0, $0xA;
	s2 =	sadd.s32 s3, s2  }
0x8d: {  	s2 =	sadd.s32 s2, s17  }
0x8e: {  	[smem:$0x3FC4] =	sst s2  }
0x8f: {  	_ = 	snop  }
0x90: {  	s2 =	sld [smem:$0x3FD0];
	(tm) =	ssettm $0x1  }
0x91: {  	s18 =	sld [smem:$0x3FFB];
	_ =	sdelay $0x3  }
0x92: {  	_ =	strace s18  }
0x93: {  	s3 =	sld [smem:$0x3FFC];
	_ =	sdelay $0x3  }
0x94: {  	_ =	strace s3  }
0x95: {  	s3 =	sld [smem:$0x3FFD];
	_ =	sdelay $0x3  }
0x96: {  	_ =	strace s3  }
0x97: {  	_ =	strace $0x8FFFFFFF  }
0x98: {  	s19 =	sld [smem:$0x3FDB];
	_ =	sdelay $0x1  }
0x99: {  	s4 =	simm.s32 $_scs_section_size  }
0x9a: {  	s5 =	simm.s32 $_size__tile_overlayer_lowered;
	s6 =	simm.s32 $_tile_overlayer_lowered  }
0x9b: {  	s22 =	simm.s32 $0x1BFF;
	s21 =	sshll.u32 s6, $0x1;
	s3 =	sadd.s32 s4, s19  }
0x9c: {  	s7 =	simm.s32 $0x0;
	s20 =	sshll.u32 s5, $0x1;
	s5 =	sadd.s32 s21, s3  }
0x9d: {  	[timem:s7], [sflag:s22] =	dma.local [hbm:s5], s20  }
0x9e: {  	_ =	swait.ge [sflag:s22], s20  }
0x9f: {  	s4 =	ssub.s32 $0x0, s20;
	[sflag:s22] =	ssyncset.done $0x0  }
0xa0: {  	[sflag:s22] =	ssyncadd.s32 s4;
	_ =	sdelay $0x1  }
0xa1: {  	s23 =	simm.s32 $0x1B8B  }
0xa2: {  	_ =	swait.ge [sflag:s23], $0x1  }
0xa3: {  	[sflag:s23] =	ssyncset.done $0x0  }
0xa4: {  	s25 =	simm.s32 $0x1B8E;
	s24 =	sld [smem:$0x3FFE];
	[sflag:s23] =	ssyncadd.s32 $0xFFFFFFFF  }
0xa5: {  	s26 =	simm.s32 $execute0_lowered;
	[smem:$0x3FD2] =	sst s25  }
0xa6: {  	s5 =	sshll.u32 s26, $0x1;
	_ =	strace $0x80000046;
	[dreg:$0x1] =	wrdreg $0xFFFFFFFF  }
0xa7: {  	s28 =	simm.s32 $_size_execute0_lowered;
	s3 =	sadd.s32 s3, s5;
	[dreg:$0x0] =	wrdreg $0x0  }
0xa8: {  	s5 =	sshll.u32 s28, $0x1;
	[dreg:$0x2] =	wrdreg s3  }
0xa9: {  	[dreg:$0x3] =	wrdreg s5  }
0xaa: {  	[dreg:$0x4] =	wrdreg $0xC0  }
0xab: {  	_ =	task [dreg:s7], $0x5FFFF  }
0xac: {  	[dreg:$0x1] =	wrdreg $0xFFFFFFFF  }
0xad: {  	[dreg:$0x0] =	wrdreg $0x60  }
0xae: {  	[dreg:$0x2] =	wrdreg s24  }
0xaf: {  	[dreg:$0x3] =	wrdreg s2  }
0xb0: {  	[dreg:$0x4] =	wrdreg $0x8D000  }
0xb1: {  	[dreg:$0x5] =	wrdreg $0x9  }
0xb2: {  	_ =	task.clear_ibuf [dreg:s7], $0x6FFFF;
	_ =	strace $0x90000046  }
0xb3: {  	s29 =	simm.s32 $0x9;
	_ =	strace $0x80000048  }
0xb4: {  	_ =	swait.ge [sflag:s29], $0x1  }
0xb5: {  	[sflag:s29] =	ssyncadd.s32 $0xFFFFFFFF  }
0xb6: {  	_ =	strace $0x90000048  }
0xb7: {  	_ =	sfence  }
0xb8: {  	s30 =	sld [smem:$0x0];
	_ =	sdelay $0x2  }
0xb9: {  	s31 =	sshll.u32 s1, $0xD;
	s1 =	sshrl.u32 s1, $0x2  }
0xba: {  	s3 =	sand.u32 $0x4000, s31;
	s1 =	sadd.s32 s1, s30  }
0xbb: {  	s0 =	sor.u32 s3, s0;
	s1 =	sshll.u32 s1, $0x11  }
0xbc: {  	s0 =	sor.u32 s1, s0  }
0xbd: {  	s0 =	sadd.s32 $0x8F2B, s0  }
0xbe: {  	[sflag:s0] =	ssyncadd.remote.s32 $0x1  }
0xbf: {  	_ =	sfence.sel $0xFFFF  }
0xc0: {  	[dreg:$0x0] =	wrdreg $0xFFFFFFFF;
	(pc) =	sbr.abs _section_cstart, $3  }
0xc1: {  	[dreg:$0x1] =	wrdreg $0xFFFFFFFF  }
0xc2: {  	_ =	task.clear_ibuf [dreg:s7], $0x2FFFF;
	_ =	strace $0x9FFFFFFF  }
0xc3: {  	(tm) =	ssettm $0x7FFFFFFF  }
tec
execute0_lowered:
.L_overlay_start_1:
0x0: {  	(tag) =	ssettag $0x1  }
0x1: {  	s0 =	rddreg [dreg:$0x0]  }
0x2: {  	s1 =	rddreg [dreg:$0x1]  }
0x3: {  	s3 =	srdreg.scid;
	s10 =	stileid.u32  }
0x4: {  	s2 =	rddreg [dreg:$0x2];
	s11 =	simm.s32 $0xD00;
	s12 =	simm.s32 $0xB  }
0x5: {  	s13 =	simm.s32 $0x1;
	s14 =	simm.s32 $0x2;
	s15 =	simm.s32 $0x80  }
0x6: {  	s16 =	simm.s32 $0x2D00;
	s17 =	simm.s32 $0x3;
	s19 =	simm.s32 $0x4D00  }
0x7: {  	s20 =	simm.s32 $0x4;
	s29 =	simm.s32 $0x6;
	s31 =	simm.s32 $0x8  }
0x8: {  	s18 =	simm.s32 $0x9;
	s28 =	simm.s32 $0xC80;
	s30 =	simm.s32 $0x0  }
0x9: {  	s4 =	sand.u32 $0x1, s3;
	s5 =	sshll.u32 s10, $0x1;
	s9 =	smul.u32 $0x2800, s10  }
0xa: {  	s3 =	simm.s32 $0x0;
	s22 =	smul.u32 $0x28, s10;
	s10 =	simm.s32 $0x680  }
0xb: {  	s7 =	sor.u32 s4, s5;
	[smem:$0x7FF] =	sst s3;
	s6 =	ssub.s32 $0x2, s4  }
0xc: {  	s4 =	sadd.s32 $0xF43000, s0;
	s5 =	smul.u32 $0xD0, s7;
	_ =	strace $0x80000047  }
0xd: {  	s23 =	sshrl.u32 s6, $0x1;
	s25 =	sshrl.u32 s9, $0x2;
	s26 =	sshll.u32 s7, $0x8  }
0xe: {  	v0 =	vmov s22;
	s22 =	simm.s32 $0xC00;
	s24 =	ssub.s32 s6, s23;
	s7 =	sadd.s32 s25, s2  }
0xf: {  	s23 =	simm.s32 $0x6D00;
	s25 =	simm.s32 $0xA;
	s8 =	sadd.s32 s5, s0  }
0x10: {  	s9 =	smax.u32 s24, $0x1;
	s24 =	simm.s32 $0x5;
	s5 =	sadd.s32 $0xC00, s8  }
0x11: {  	v1 =	vimm.f32 $0.0e+00;
	s6 =	sadd.s32 $0x2600, s8;
	s8 =	sadd.s32 s1, s26;
	s26 =	simm.s32 $0x7  }
.LBB2_1:
0x12: {  	[tilespmem:s3], [sflag:$0x1] =	stream.linear.gather [hbm4b:s5+s3], $0x680, $0x38;
	[tilespmem:$0x9700] =	vst v63  }
0x13: {  	s1 =	simm.s32 $0x100;
	s0 =	simm.s32 $0x0  }
0x14: {  	[tilespmem:s10], [sflag:$0x2] =	stream.linear.gather [hbm4b:s6+s3], $0x680, $0x38;
	[tilespmem:$0x9700] =	vst v63  }
.LBB2_2:
0x15: {  	p0 =	sne.s32 s1, $0x2700;
	[tilespmem:s0+$0xD30] =	vst v1;
	s21 =	smov.u32 s1;
	s1 =	sadd.s32 $0x100, s1  }
.Ltmp0:
0x16: {  	[tilespmem:s0+$0xD20] =	vst v1;
	(pc) =	sbr.rel @p0 .LBB2_2-.Ltmp0, $3  }
0x17: {  	[tilespmem:s0+$0xD00] =	vst v1  }
0x18: {  	[tilespmem:s0+$0xD10] =	vst v1;
	_ =	sdelay $0x1  }
0x19: {  	s0 =	sshra.s32 s21, $0x2  }
0x1a: {  	[tilespmem:s0+$0xD30] =	vst v1  }
0x1b: {  	[tilespmem:s0+$0xD20] =	vst v1  }
0x1c: {  	[tilespmem:s0+$0xD00] =	vst v1  }
0x1d: {  	[tilespmem:s0+$0xD10] =	vst v1  }
0x1e: {  	[spmem:s7] =	stream.linear.scatter [tilespmem:s11], [sflag:$0xB], $0xA00, $0x38;
	[tilespmem:$0x9700] =	vst v63  }
0x1f: {  	_ =	swait.ge [sflag:s12], $0xA00  }
0x20: {  	[sflag:s12] =	ssyncset.done $0x0  }
0x21: {  	[sflag:s12] =	ssyncadd.s32 $0xFFFFF600  }
0x22: {  	_ =	swait.ge [sflag:s13], $0x680  }
0x23: {  	[sflag:s13] =	ssyncset.done $0x0  }
0x24: {  	[sflag:s13] =	ssyncadd.s32 $0xFFFFF980  }
0x25: {  	_ =	swait.ge [sflag:s14], $0x680  }
0x26: {  	[sflag:s14] =	ssyncset.done $0x0  }
0x27: {  	s1 =	simm.s32 $0x0;
	[sflag:s14] =	ssyncadd.s32 $0xFFFFF980  }
0x28: {  	v4 =	vld [tilespmem:s1+$0x680]  }
0x29: {  	v6 =	vld [tilespmem:s1+$0x690]  }
0x2a: {  	v5 =	vld [tilespmem:s1+$0x6A0]  }
0x2b: {  	v3 =	vld [tilespmem:s1+$0x6B0]  }
0x2c: {  	v2 =	vld [tilespmem:s1+$0x6C0]  }
0x2d: {  	v7 =	vadd.s32 v0, v4;
	v4 =	vld [tilespmem:s1+$0x6D0]  }
0x2e: {  	s0 =	simm.s32 $0x200;
	[tilespmem:s1+$0x680] =	vst v7;
	v7 =	vadd.s32 v0, v6;
	v6 =	vld [tilespmem:s1+$0x6E0]  }
.LBB2_4:
0x2f: {  	s21 =	sshra.s32 s0, $0x2;
	p0 =	sne.s32 s0, $0x1800;
	[tilespmem:s1+$0x690] =	vst v7;
	v5 =	vadd.s32 v0, v5;
	v7 =	vld [tilespmem:s1+$0x6F0]  }
0x30: {  	v8 =	vld [tilespmem:s21+$0x680];
	[tilespmem:s1+$0x6A0] =	vst v5;
	v3 =	vadd.s32 v0, v3  }
0x31: {  	v9 =	vld [tilespmem:s21+$0x690];
	[tilespmem:s1+$0x6B0] =	vst v3;
	v2 =	vadd.s32 v0, v2  }
.Ltmp1:
0x32: {  	v5 =	vld [tilespmem:s21+$0x6A0];
	[tilespmem:s1+$0x6C0] =	vst v2;
	v2 =	vadd.s32 v0, v4;
	(pc) =	sbr.rel @p0 .LBB2_4-.Ltmp1, $4  }
0x33: {  	v3 =	vld [tilespmem:s21+$0x6B0];
	[tilespmem:s1+$0x6D0] =	vst v2;
	v4 =	vadd.s32 v0, v6  }
0x34: {  	v2 =	vld [tilespmem:s21+$0x6C0];
	[tilespmem:s1+$0x6E0] =	vst v4;
	v6 =	vadd.s32 v0, v7  }
0x35: {  	v7 =	vadd.s32 v0, v8;
	v4 =	vld [tilespmem:s21+$0x6D0];
	[tilespmem:s1+$0x6F0] =	vst v6;
	s1 =	smov.u32 s21  }
0x36: {  	s0 =	sadd.s32 $0x200, s0;
	[tilespmem:s1+$0x680] =	vst v7;
	v7 =	vadd.s32 v0, v9;
	v6 =	vld [tilespmem:s1+$0x6E0]  }
0x37: {  	[tilespmem:s1+$0x690] =	vst v7;
	v5 =	vadd.s32 v0, v5;
	v63 =	vld [tilespmem:s1+$0x6F0]  }
0x38: {  	[tilespmem:s1+$0x6A0] =	vst v5;
	v3 =	vadd.s32 v0, v3  }
0x39: {  	[tilespmem:s1+$0x6B0] =	vst v3;
	v2 =	vadd.s32 v0, v2  }
0x3a: {  	[tilespmem:s1+$0x6C0] =	vst v2;
	v2 =	vadd.s32 v0, v4  }
0x3b: {  	[tilespmem:s1+$0x6D0] =	vst v2;
	v2 =	vadd.s32 v0, v6  }
0x3c: {  	[tilespmem:s1+$0x6E0] =	vst v2;
	v2 =	vadd.s32 v0, v63  }
0x3d: {  	[tilespmem:s1+$0x6F0] =	vst v2  }
0x3e: {  	[tilespmem:s11], [sflag:$0x3] =	stream.indirect.gather [hbm4b:s4+s15], $0x40, s3, s15, $0xb8;
	[tilespmem:$0x9700] =	vst v63  }
0x3f: {  	_ = 	snop  }
0x40: {  	[tilespmem:s16], [sflag:$0x4] =	stream.indirect.gather [hbm4b:s4+s15], $0x40, s15, s15, $0xb8;
	[tilespmem:$0x9700] =	vst v63  }
0x41: {  	_ =	swait.ge [sflag:s17], $0x2000  }
0x42: {  	[sflag:s17] =	ssyncset.done $0x0  }
0x43: {  	[sflag:s17] =	ssyncadd.s32 $0xFFFFE000  }
0x44: {  	[spmem:s2] =	stream.indirect.scatter.add.f32 [tilespmem:s11], [sflag:$0x7], $0x40, s10, s15, $0xb8;
	[tilespmem:$0x9700] =	vst v63  }
0x45: {  	s0 =	simm.s32 $0x100  }
0x46: {  	[tilespmem:s19], [sflag:$0x5] =	stream.indirect.gather [hbm4b:s4+s15], $0x40, s0, s15, $0xb8;
	[tilespmem:$0x9700] =	vst v63  }
0x47: {  	_ =	swait.ge [sflag:s20], $0x2000  }
0x48: {  	[sflag:s20] =	ssyncset.done $0x0  }
0x49: {  	s1 =	simm.s32 $0x700;
	[sflag:s20] =	ssyncadd.s32 $0xFFFFE000  }
0x4a: {  	[spmem:s2] =	stream.indirect.scatter.add.f32 [tilespmem:s16], [sflag:$0x8], $0x40, s1, s15, $0xb8;
	[tilespmem:$0x9700] =	vst v63  }
0x4b: {  	s21 =	simm.s32 $0x180  }
0x4c: {  	[tilespmem:s23], [sflag:$0x6] =	stream.indirect.gather [hbm4b:s4+s15], $0x40, s21, s15, $0xb8;
	[tilespmem:$0x9700] =	vst v63  }
0x4d: {  	_ =	swait.ge [sflag:s24], $0x2000  }
0x4e: {  	[sflag:s24] =	ssyncset.done $0x0  }
0x4f: {  	s1 =	simm.s32 $0x780;
	[sflag:s24] =	ssyncadd.s32 $0xFFFFE000  }
0x50: {  	[spmem:s2] =	stream.indirect.scatter.add.f32 [tilespmem:s19], [sflag:$0x9], $0x40, s1, s15, $0xb8;
	[tilespmem:$0x9700] =	vst v63  }
0x51: {  	_ =	swait.ge [sflag:s26], $0x2000  }
0x52: {  	[sflag:s26] =	ssyncset.done $0x0  }
0x53: {  	s21 =	simm.s32 $0x200;
	[sflag:s26] =	ssyncadd.s32 $0xFFFFE000  }
0x54: {  	[tilespmem:s11], [sflag:$0x3] =	stream.indirect.gather [hbm4b:s4+s15], $0x40, s21, s15, $0xb8;
	[tilespmem:$0x9700] =	vst v63  }
0x55: {  	_ =	swait.ge [sflag:s29], $0x2000  }
0x56: {  	[sflag:s29] =	ssyncset.done $0x0  }
0x57: {  	s1 =	simm.s32 $0x800;
	[sflag:s29] =	ssyncadd.s32 $0xFFFFE000  }
0x58: {  	[spmem:s2] =	stream.indirect.scatter.add.f32 [tilespmem:s23], [sflag:$0xA], $0x40, s1, s15, $0xb8;
	[tilespmem:$0x9700] =	vst v63  }
0x59: {  	_ =	swait.ge [sflag:s31], $0x2000  }
0x5a: {  	[sflag:s31] =	ssyncset.done $0x0  }
0x5b: {  	s21 =	simm.s32 $0x280;
	[sflag:s31] =	ssyncadd.s32 $0xFFFFE000  }
0x5c: {  	[tilespmem:s16], [sflag:$0x4] =	stream.indirect.gather [hbm4b:s4+s15], $0x40, s21, s15, $0xb8;
	[tilespmem:$0x9700] =	vst v63  }
0x5d: {  	_ =	swait.ge [sflag:s17], $0x2000  }
0x5e: {  	[sflag:s17] =	ssyncset.done $0x0  }
0x5f: {  	s1 =	simm.s32 $0x880;
	[sflag:s17] =	ssyncadd.s32 $0xFFFFE000  }
0x60: {  	[spmem:s2] =	stream.indirect.scatter.add.f32 [tilespmem:s11], [sflag:$0x7], $0x40, s1, s15, $0xb8;
	[tilespmem:$0x9700] =	vst v63  }
0x61: {  	_ =	swait.ge [sflag:s18], $0x2000  }
0x62: {  	[sflag:s18] =	ssyncset.done $0x0  }
0x63: {  	s21 =	simm.s32 $0x300;
	[sflag:s18] =	ssyncadd.s32 $0xFFFFE000  }
0x64: {  	[tilespmem:s19], [sflag:$0x5] =	stream.indirect.gather [hbm4b:s4+s15], $0x40, s21, s15, $0xb8;
	[tilespmem:$0x9700] =	vst v63  }
0x65: {  	_ =	swait.ge [sflag:s20], $0x2000  }
0x66: {  	[sflag:s20] =	ssyncset.done $0x0  }
0x67: {  	s1 =	simm.s32 $0x900;
	[sflag:s20] =	ssyncadd.s32 $0xFFFFE000  }
0x68: {  	[spmem:s2] =	stream.indirect.scatter.add.f32 [tilespmem:s16], [sflag:$0x8], $0x40, s1, s15, $0xb8;
	[tilespmem:$0x9700] =	vst v63  }
0x69: {  	_ =	swait.ge [sflag:s25], $0x2000  }
0x6a: {  	[sflag:s25] =	ssyncset.done $0x0  }
0x6b: {  	s21 =	simm.s32 $0x380;
	[sflag:s25] =	ssyncadd.s32 $0xFFFFE000  }
0x6c: {  	[tilespmem:s23], [sflag:$0x6] =	stream.indirect.gather [hbm4b:s4+s15], $0x40, s21, s15, $0xb8;
	[tilespmem:$0x9700] =	vst v63  }
0x6d: {  	_ =	swait.ge [sflag:s24], $0x2000  }
0x6e: {  	[sflag:s24] =	ssyncset.done $0x0  }
0x6f: {  	s1 =	simm.s32 $0x980;
	[sflag:s24] =	ssyncadd.s32 $0xFFFFE000  }
0x70: {  	[spmem:s2] =	stream.indirect.scatter.add.f32 [tilespmem:s19], [sflag:$0x9], $0x40, s1, s15, $0xb8;
	[tilespmem:$0x9700] =	vst v63  }
0x71: {  	_ =	swait.ge [sflag:s26], $0x2000  }
0x72: {  	[sflag:s26] =	ssyncset.done $0x0  }
0x73: {  	s21 =	simm.s32 $0x400;
	[sflag:s26] =	ssyncadd.s32 $0xFFFFE000  }
0x74: {  	[tilespmem:s11], [sflag:$0x3] =	stream.indirect.gather [hbm4b:s4+s15], $0x40, s21, s15, $0xb8;
	[tilespmem:$0x9700] =	vst v63  }
0x75: {  	_ =	swait.ge [sflag:s29], $0x2000  }
0x76: {  	[sflag:s29] =	ssyncset.done $0x0  }
0x77: {  	s1 =	simm.s32 $0xA00;
	[sflag:s29] =	ssyncadd.s32 $0xFFFFE000  }
0x78: {  	[spmem:s2] =	stream.indirect.scatter.add.f32 [tilespmem:s23], [sflag:$0xA], $0x40, s1, s15, $0xb8;
	[tilespmem:$0x9700] =	vst v63  }
0x79: {  	_ =	swait.ge [sflag:s31], $0x2000  }
0x7a: {  	[sflag:s31] =	ssyncset.done $0x0  }
0x7b: {  	s21 =	simm.s32 $0x480;
	[sflag:s31] =	ssyncadd.s32 $0xFFFFE000  }
0x7c: {  	[tilespmem:s16], [sflag:$0x4] =	stream.indirect.gather [hbm4b:s4+s15], $0x40, s21, s15, $0xb8;
	[tilespmem:$0x9700] =	vst v63  }
0x7d: {  	_ =	swait.ge [sflag:s17], $0x2000  }
0x7e: {  	[sflag:s17] =	ssyncset.done $0x0  }
0x7f: {  	s1 =	simm.s32 $0xA80;
	[sflag:s17] =	ssyncadd.s32 $0xFFFFE000  }
0x80: {  	[spmem:s2] =	stream.indirect.scatter.add.f32 [tilespmem:s11], [sflag:$0x7], $0x40, s1, s15, $0xb8;
	[tilespmem:$0x9700] =	vst v63  }
0x81: {  	_ =	swait.ge [sflag:s18], $0x2000  }
0x82: {  	[sflag:s18] =	ssyncset.done $0x0  }
0x83: {  	s21 =	simm.s32 $0x500;
	[sflag:s18] =	ssyncadd.s32 $0xFFFFE000  }
0x84: {  	[tilespmem:s19], [sflag:$0x5] =	stream.indirect.gather [hbm4b:s4+s15], $0x40, s21, s15, $0xb8;
	[tilespmem:$0x9700] =	vst v63  }
0x85: {  	_ =	swait.ge [sflag:s20], $0x2000  }
0x86: {  	[sflag:s20] =	ssyncset.done $0x0  }
0x87: {  	s1 =	simm.s32 $0xB00;
	[sflag:s20] =	ssyncadd.s32 $0xFFFFE000  }
0x88: {  	[spmem:s2] =	stream.indirect.scatter.add.f32 [tilespmem:s16], [sflag:$0x8], $0x40, s1, s15, $0xb8;
	[tilespmem:$0x9700] =	vst v63  }
0x89: {  	_ =	swait.ge [sflag:s25], $0x2000  }
0x8a: {  	[sflag:s25] =	ssyncset.done $0x0  }
0x8b: {  	s21 =	simm.s32 $0x580;
	[sflag:s25] =	ssyncadd.s32 $0xFFFFE000  }
0x8c: {  	[tilespmem:s23], [sflag:$0x6] =	stream.indirect.gather [hbm4b:s4+s15], $0x40, s21, s15, $0xb8;
	[tilespmem:$0x9700] =	vst v63  }
0x8d: {  	_ =	swait.ge [sflag:s24], $0x2000  }
0x8e: {  	[sflag:s24] =	ssyncset.done $0x0  }
0x8f: {  	s1 =	simm.s32 $0xB80;
	[sflag:s24] =	ssyncadd.s32 $0xFFFFE000  }
0x90: {  	[spmem:s2] =	stream.indirect.scatter.add.f32 [tilespmem:s19], [sflag:$0x9], $0x40, s1, s15, $0xb8;
	[tilespmem:$0x9700] =	vst v63  }
0x91: {  	_ =	swait.ge [sflag:s26], $0x2000  }
0x92: {  	[sflag:s26] =	ssyncset.done $0x0  }
0x93: {  	s21 =	simm.s32 $0x600;
	[sflag:s26] =	ssyncadd.s32 $0xFFFFE000  }
0x94: {  	[tilespmem:s11], [sflag:$0x3] =	stream.indirect.gather [hbm4b:s4+s15], $0x40, s21, s15, $0xb8;
	[tilespmem:$0x9700] =	vst v63  }
0x95: {  	_ =	swait.ge [sflag:s29], $0x2000  }
0x96: {  	[sflag:s29] =	ssyncset.done $0x0  }
0x97: {  	[sflag:s29] =	ssyncadd.s32 $0xFFFFE000  }
0x98: {  	[spmem:s2] =	stream.indirect.scatter.add.f32 [tilespmem:s23], [sflag:$0xA], $0x40, s22, s15, $0xb8;
	[tilespmem:$0x9700] =	vst v63  }
0x99: {  	_ =	swait.ge [sflag:s17], $0x2000  }
0x9a: {  	[sflag:s17] =	ssyncset.done $0x0  }
0x9b: {  	[sflag:s17] =	ssyncadd.s32 $0xFFFFE000  }
0x9c: {  	[spmem:s2] =	stream.indirect.scatter.add.f32 [tilespmem:s11], [sflag:$0x7], $0x40, s28, s15, $0xb8;
	[tilespmem:$0x9700] =	vst v63  }
0x9d: {  	_ =	swait.ge [sflag:s18], $0x2000  }
0x9e: {  	[sflag:s18] =	ssyncset.done $0x0  }
0x9f: {  	[sflag:s18] =	ssyncadd.s32 $0xFFFFE000  }
0xa0: {  	_ =	swait.ge [sflag:s25], $0x2000  }
0xa1: {  	[sflag:s25] =	ssyncset.done $0x0  }
0xa2: {  	s1 =	stileid.u32;
	[sflag:s25] =	ssyncadd.s32 $0xFFFFE000  }
0xa3: {  	s30 =	sadd.s32 $0x1, s30;
	s0 =	sshll.u32 s1, $0x6;
	_ =	swait.ge [sflag:s26], $0x2000  }
0xa4: {  	p0 =	sne.s32 s30, s9;
	s0 =	sor.u32 $0x1C0B, s0;
	[sflag:s26] =	ssyncset.done $0x0  }
.Ltmp2:
0xa5: {  	s21 =	sshrl.u32 s7, $0x3;
	[sflag:s26] =	ssyncadd.s32 $0xFFFFE000;
	(pc) =	sbr.rel @p0 .LBB2_1-.Ltmp2, $4  }
0xa6: {  	[hbm:s8], [sflag:s0] =	dma.local [spmem:s21], $0x100  }
0xa7: {  	_ =	swait.ge [sflag:s12], $0x100  }
0xa8: {  	[sflag:s12] =	ssyncset.done $0x0  }
0xa9: {  	[sflag:s12] =	ssyncadd.s32 $0xFFFFFF00  }
0xaa: {  	_ =	sfence.sel $0x180000  }
0xab: {  	[bflag:$0x0] =	sbarrier.arrive $0xFFFF  }
0xac: {  	_ =	strace $0x90000047  }
0xad: {  	s0 =	stileid.u32;
	[bflag:$0x2] =	sbarrier.arrive $0xFFFF  }
0xae: {  	p0 =	sne.s32 s0, $0x0;
	s0 =	rddreg [dreg:$0x3]  }
0xaf: {  	s0 =	sadd.s32 @!p0 $0x100000, s0  }
0xb0: {  	[sflag:s0] =	ssyncadd.tile.s32 @!p0 $0x1;
	_ =	shalt  }
.Lfunc_end2:
_tile_overlayer_lowered:
.L_overlay_start_2:
0xb1: {  	(tag) =	ssettag $0x2  }
0xb2: {  	s0 =	rddreg [dreg:$0x0];
	s2 =	stileid.u32  }
0xb3: {  	s1 =	rddreg [dreg:$0x1];
	p0 =	sne.s32 s2, $0x0  }
0xb4: {  	s3 =	rddreg [dreg:$0x2];
	[bflag:$0x3] =	sbarrier.arrive $0xFFFF;
	s2 =	simm.s32 @!p0 $0x1C0B  }
0xb5: {  	[timem:s3], [sflag:s2] =	dma.local @!p0 [hbm:s0], s1  }
0xb6: {  	s0 =	simm.s32 @!p0 $0xB  }
0xb7: {  	_ =	swait.ge @!p0 [sflag:s0], s1  }
0xb8: {  	s1 =	ssub.s32 @!p0 $0x0, s1;
	[sflag:s0] =	ssyncset.done @!p0 $0x0  }
0xb9: {  	[sflag:s0] =	ssyncadd.s32 @!p0 s1  }
0xba: {  	[bflag:$0x3] =	sbarrier.arrive $0xFFFF  }
0xbb: {  	_ =	shalt  }

</sc_bundles>
